<compile_context>
chip_gen: v7x
topology: tpu7x:2x2x1
jax: 0.10.2.dev20260603
libtpu: 0.0.44.dev20260713+nightly
codegen_flags: <defaults>
</compile_context>

<pallas_src>
import functools

import jax
import jax.numpy as jnp
from jax import lax
from jax.experimental import pallas as pl
from jax.experimental.pallas import tpu as pltpu
from jax.experimental.pallas import tpu_sc as plsc

_B = 16384
_D = 128
_NC = 2
_NS = 16
_NW = _NC * _NS
_BPW = _B // _NW
_CHUNK = 128
_NCH = _BPW // _CHUNK

_NBUF = 7
_NT = 2 * _NCH

_mesh = plsc.VectorSubcoreMesh(core_axis_name="c", subcore_axis_name="s")


@functools.partial(
    pl.kernel,
    mesh=_mesh,
    out_type=(
        jax.ShapeDtypeStruct((_B, _D), jnp.float32),
        jax.ShapeDtypeStruct((_B, _D), jnp.float32),
    ),
    scratch_types=[
        pltpu.VMEM((_BPW,), jnp.int32),
        pltpu.VMEM((_BPW,), jnp.int32),
        pltpu.VMEM((_NBUF, _CHUNK, _D), jnp.float32),
        pltpu.SemaphoreType.DMA,
        pltpu.SemaphoreType.DMA,
    ],
)
def _bipartite_gather(ep, eg, pt, gt, outp, outg, idxp, idxg, rows, gsem, wsem):
    wid = lax.axis_index("s") * _NC + lax.axis_index("c")
    base = wid * _BPW
    pltpu.sync_copy(ep.at[pl.ds(base, _BPW)], idxp)

    def gather(t, b):
        tbl, idx = (pt, idxp) if t < _NCH else (gt, idxg)
        isl = idx.at[pl.ds((t % _NCH) * _CHUNK, _CHUNK)]
        return pltpu.async_copy(tbl.at[isl], rows.at[b], gsem)

    def write(t, b):
        out = outp if t < _NCH else outg
        dst = out.at[pl.ds(base + (t % _NCH) * _CHUNK, _CHUNK)]
        return pltpu.async_copy(rows.at[b], dst, wsem)

    gathers = [gather(t, t) for t in range(_NCH)]
    pltpu.sync_copy(eg.at[pl.ds(base, _BPW)], idxg)
    gathers += [gather(t, t) for t in range(_NCH, _NBUF)]
    writes = []
    for t in range(_NT):
        gathers[t].wait()
        writes.append(write(t, t % _NBUF))
        if t == 0:
            writes[0].wait()
            gathers.append(gather(_NT - 1, 0))
    for t in range(1, _NT):
        writes[t].wait()


def kernel(edges_protein, edges_gene, protein_table, gene_table):
    ep = edges_protein.astype(jnp.int32)
    eg = edges_gene.astype(jnp.int32)
    return _bipartite_gather(ep, eg, protein_table, gene_table)

# --- scband reference (transcript-rebuilt; emitter-appended) ---
"""Pipeline reference for scband-bipartite-embedding-model-28509992911039 (READ-ONLY COPY).

The authoritative reference and input builder live on the scoring server;
editing this copy changes nothing except your own understanding.
"""

import jax, jax.numpy as jnp
import numpy as np

NUM_PROTEINS = 100000
NUM_GENES = 100000
EMBED_DIM = 128
BATCH = 16384


def setup_inputs(seed: int = 0) -> dict:
    key = jax.random.key(seed)
    k1, k2, k3, k4 = jax.random.split(key, 4)
    # prior_cell_embedding copied into protein table at init
    protein_table = jax.random.normal(k1, (NUM_PROTEINS, EMBED_DIM), dtype=jnp.float32)
    # xavier_uniform for gene table: bound = sqrt(6/(fan_in+fan_out))
    bound = float(np.sqrt(6.0 / (NUM_GENES + EMBED_DIM)))
    gene_table = jax.random.uniform(k2, (NUM_GENES, EMBED_DIM), dtype=jnp.float32, minval=-bound, maxval=bound)
    edges_protein = jax.random.randint(k3, (BATCH,), 0, NUM_PROTEINS, dtype=jnp.int64 if jax.config.jax_enable_x64 else jnp.int32)
    edges_gene = jax.random.randint(k4, (BATCH,), 0, NUM_GENES, dtype=jnp.int64 if jax.config.jax_enable_x64 else jnp.int32)
    return {
        "edges_protein": edges_protein,
        "edges_gene": edges_gene,
        "protein_table": protein_table,
        "gene_table": gene_table,
    }


def reference(edges_protein, edges_gene, protein_table, gene_table):
    p_vec = jnp.take(protein_table, edges_protein, axis=0)
    g_vec = jnp.take(gene_table, edges_gene, axis=0)
    return (p_vec, g_vec)

if __name__ == "__main__":
    import jax
    _d = setup_inputs()
    print(jax.jit(kernel)(*tuple(_d.values())))

</pallas_src>

<mosaic_0001>
#map = affine_map<(d0, d1) -> (0)>
#map1 = affine_map<(d0, d1) -> (0, 0)>
module attributes {stable_mosaic.version = 14 : i64} {
  func.func @_bipartite_gather(%arg0: i32, %arg1: i32, %arg2: memref<16384xi32, #tpu.memory_space<hbm>>, %arg3: memref<16384xi32, #tpu.memory_space<hbm>>, %arg4: memref<100000x128xf32, #tpu.memory_space<hbm>>, %arg5: memref<100000x128xf32, #tpu.memory_space<hbm>>, %arg6: memref<16384x128xf32, #tpu.memory_space<hbm>>, %arg7: memref<16384x128xf32, #tpu.memory_space<hbm>>, %arg8: memref<512xi32, #tpu.memory_space<vmem>>, %arg9: memref<512xi32, #tpu.memory_space<vmem>>, %arg10: memref<7x128x128xf32, #tpu.memory_space<vmem>>, %arg11: memref<!tpu.dma_semaphore, #tpu.memory_space<semaphore_mem>>, %arg12: memref<!tpu.dma_semaphore, #tpu.memory_space<semaphore_mem>>) attributes {dimension_semantics = [#tpu.dimension_semantics<core_parallel>, #tpu.dimension_semantics<subcore_parallel>], iteration_bounds = array<i64: 2, 16>, scalar_prefetch = 0 : i64, scratch_operands = 5 : i64, tpu.core_type = #tpu.core_type<sc_vector_subcore>, window_params = [{transform_indices = #map}, {transform_indices = #map}, {transform_indices = #map1}, {transform_indices = #map1}, {transform_indices = #map1}, {transform_indices = #map1}]} {
    %mul3A = arith.constant 2 : i32
    %mul3A_0 = arith.muli %arg1, %mul3A : i32
    %add3A = arith.addi %mul3A_0, %arg0 : i32
    %mul3A_1 = arith.constant 512 : i32
    %mul3A_2 = arith.muli %add3A, %mul3A_1 : i32
    "tpu.region"() ({
      %run_scoped3A = tpu.sem_alloc : memref<!tpu.dma_semaphore, #tpu.memory_space<semaphore_mem>>
      %dma_start3A_385 = tpu.memref_slice %arg2[%mul3A_2] : memref<16384xi32, #tpu.memory_space<hbm>> -> memref<512xi32, #tpu.memory_space<hbm>>
      %dma_start3A_386 = tpu.memref_slice %arg2[%mul3A_2] : memref<16384xi32, #tpu.memory_space<hbm>> -> memref<512xi32, #tpu.memory_space<hbm>>
      tpu.enqueue_dma source(%dma_start3A_386 : memref<512xi32, #tpu.memory_space<hbm>>) target(%arg8 : memref<512xi32, #tpu.memory_space<vmem>>) target_semaphore(%run_scoped3A : memref<!tpu.dma_semaphore, #tpu.memory_space<semaphore_mem>>)
      %dma_wait3A_387 = tpu.memref_slice %arg2[%mul3A_2] : memref<16384xi32, #tpu.memory_space<hbm>> -> memref<512xi32, #tpu.memory_space<hbm>>
      %dma_wait3A_388 = tpu.memref_slice %arg2[%mul3A_2] : memref<16384xi32, #tpu.memory_space<hbm>> -> memref<512xi32, #tpu.memory_space<hbm>>
      tpu.wait_dma2 semaphore(%run_scoped3A : memref<!tpu.dma_semaphore, #tpu.memory_space<semaphore_mem>>) src(%dma_wait3A_388 : memref<512xi32, #tpu.memory_space<hbm>>) dst(%arg8 : memref<512xi32, #tpu.memory_space<vmem>>)
      tpu.yield
    }) : () -> ()
    %dma_start3A = arith.constant 0 : i32
    %dma_start3A_3 = arith.constant 0 : i32
    %dma_start3A_4 = arith.constant 0 : i32
    %dma_start3A_5 = tpu.memref_slice %arg10[%dma_start3A, %dma_start3A_3, %dma_start3A_4] : memref<7x128x128xf32, #tpu.memory_space<vmem>> -> memref<1x128x128xf32, #tpu.memory_space<vmem>>
    %dma_start3A_6 = tpu.memref_squeeze %dma_start3A_5 : memref<1x128x128xf32, #tpu.memory_space<vmem>> -> memref<128x128xf32, #tpu.memory_space<vmem>>
    %dma_start3A_7 = arith.constant 0 : i32
    %dma_start3A_8 = tpu.memref_slice %arg8[%dma_start3A_7] : memref<512xi32, #tpu.memory_space<vmem>> -> memref<128xi32, #tpu.memory_space<vmem>>
    %dma_start3A_9 = arith.constant 0 : i32
    %dma_start3A_10 = arith.constant 0 : i32
    %dma_start3A_11 = tpu.memref_slice %arg4[%dma_start3A_9, %dma_start3A_10] : memref<100000x128xf32, #tpu.memory_space<hbm>> -> memref<100000x128xf32, #tpu.memory_space<hbm>>
    tpu.enqueue_indirect_dma source(%dma_start3A_11 : memref<100000x128xf32, #tpu.memory_space<hbm>>) target(%dma_start3A_6 : memref<128x128xf32, #tpu.memory_space<vmem>>) offsets(%dma_start3A_8 : memref<128xi32, #tpu.memory_space<vmem>>) semaphore(%arg11 : memref<!tpu.dma_semaphore, #tpu.memory_space<semaphore_mem>>)
    %dma_start3A_12 = arith.constant 1 : i32
    %dma_start3A_13 = arith.constant 0 : i32
    %dma_start3A_14 = arith.constant 0 : i32
    %dma_start3A_15 = tpu.memref_slice %arg10[%dma_start3A_12, %dma_start3A_13, %dma_start3A_14] : memref<7x128x128xf32, #tpu.memory_space<vmem>> -> memref<1x128x128xf32, #tpu.memory_space<vmem>>
    %dma_start3A_16 = tpu.memref_squeeze %dma_start3A_15 : memref<1x128x128xf32, #tpu.memory_space<vmem>> -> memref<128x128xf32, #tpu.memory_space<vmem>>
    %dma_start3A_17 = arith.constant 128 : i32
    %dma_start3A_18 = tpu.memref_slice %arg8[%dma_start3A_17] : memref<512xi32, #tpu.memory_space<vmem>> -> memref<128xi32, #tpu.memory_space<vmem>>
    %dma_start3A_19 = arith.constant 0 : i32
    %dma_start3A_20 = arith.constant 0 : i32
    %dma_start3A_21 = tpu.memref_slice %arg4[%dma_start3A_19, %dma_start3A_20] : memref<100000x128xf32, #tpu.memory_space<hbm>> -> memref<100000x128xf32, #tpu.memory_space<hbm>>
    tpu.enqueue_indirect_dma source(%dma_start3A_21 : memref<100000x128xf32, #tpu.memory_space<hbm>>) target(%dma_start3A_16 : memref<128x128xf32, #tpu.memory_space<vmem>>) offsets(%dma_start3A_18 : memref<128xi32, #tpu.memory_space<vmem>>) semaphore(%arg11 : memref<!tpu.dma_semaphore, #tpu.memory_space<semaphore_mem>>)
    %dma_start3A_22 = arith.constant 2 : i32
    %dma_start3A_23 = arith.constant 0 : i32
    %dma_start3A_24 = arith.constant 0 : i32
    %dma_start3A_25 = tpu.memref_slice %arg10[%dma_start3A_22, %dma_start3A_23, %dma_start3A_24] : memref<7x128x128xf32, #tpu.memory_space<vmem>> -> memref<1x128x128xf32, #tpu.memory_space<vmem>>
    %dma_start3A_26 = tpu.memref_squeeze %dma_start3A_25 : memref<1x128x128xf32, #tpu.memory_space<vmem>> -> memref<128x128xf32, #tpu.memory_space<vmem>>
    %dma_start3A_27 = arith.constant 256 : i32
    %dma_start3A_28 = tpu.memref_slice %arg8[%dma_start3A_27] : memref<512xi32, #tpu.memory_space<vmem>> -> memref<128xi32, #tpu.memory_space<vmem>>
    %dma_start3A_29 = arith.constant 0 : i32
    %dma_start3A_30 = arith.constant 0 : i32
    %dma_start3A_31 = tpu.memref_slice %arg4[%dma_start3A_29, %dma_start3A_30] : memref<100000x128xf32, #tpu.memory_space<hbm>> -> memref<100000x128xf32, #tpu.memory_space<hbm>>
    tpu.enqueue_indirect_dma source(%dma_start3A_31 : memref<100000x128xf32, #tpu.memory_space<hbm>>) target(%dma_start3A_26 : memref<128x128xf32, #tpu.memory_space<vmem>>) offsets(%dma_start3A_28 : memref<128xi32, #tpu.memory_space<vmem>>) semaphore(%arg11 : memref<!tpu.dma_semaphore, #tpu.memory_space<semaphore_mem>>)
    %dma_start3A_32 = arith.constant 3 : i32
    %dma_start3A_33 = arith.constant 0 : i32
    %dma_start3A_34 = arith.constant 0 : i32
    %dma_start3A_35 = tpu.memref_slice %arg10[%dma_start3A_32, %dma_start3A_33, %dma_start3A_34] : memref<7x128x128xf32, #tpu.memory_space<vmem>> -> memref<1x128x128xf32, #tpu.memory_space<vmem>>
    %dma_start3A_36 = tpu.memref_squeeze %dma_start3A_35 : memref<1x128x128xf32, #tpu.memory_space<vmem>> -> memref<128x128xf32, #tpu.memory_space<vmem>>
    %dma_start3A_37 = arith.constant 384 : i32
    %dma_start3A_38 = tpu.memref_slice %arg8[%dma_start3A_37] : memref<512xi32, #tpu.memory_space<vmem>> -> memref<128xi32, #tpu.memory_space<vmem>>
    %dma_start3A_39 = arith.constant 0 : i32
    %dma_start3A_40 = arith.constant 0 : i32
    %dma_start3A_41 = tpu.memref_slice %arg4[%dma_start3A_39, %dma_start3A_40] : memref<100000x128xf32, #tpu.memory_space<hbm>> -> memref<100000x128xf32, #tpu.memory_space<hbm>>
    tpu.enqueue_indirect_dma source(%dma_start3A_41 : memref<100000x128xf32, #tpu.memory_space<hbm>>) target(%dma_start3A_36 : memref<128x128xf32, #tpu.memory_space<vmem>>) offsets(%dma_start3A_38 : memref<128xi32, #tpu.memory_space<vmem>>) semaphore(%arg11 : memref<!tpu.dma_semaphore, #tpu.memory_space<semaphore_mem>>)
    "tpu.region"() ({
      %run_scoped3A = tpu.sem_alloc : memref<!tpu.dma_semaphore, #tpu.memory_space<semaphore_mem>>
      %dma_start3A_385 = tpu.memref_slice %arg3[%mul3A_2] : memref<16384xi32, #tpu.memory_space<hbm>> -> memref<512xi32, #tpu.memory_space<hbm>>
      %dma_start3A_386 = tpu.memref_slice %arg3[%mul3A_2] : memref<16384xi32, #tpu.memory_space<hbm>> -> memref<512xi32, #tpu.memory_space<hbm>>
      tpu.enqueue_dma source(%dma_start3A_386 : memref<512xi32, #tpu.memory_space<hbm>>) target(%arg9 : memref<512xi32, #tpu.memory_space<vmem>>) target_semaphore(%run_scoped3A : memref<!tpu.dma_semaphore, #tpu.memory_space<semaphore_mem>>)
      %dma_wait3A_387 = tpu.memref_slice %arg3[%mul3A_2] : memref<16384xi32, #tpu.memory_space<hbm>> -> memref<512xi32, #tpu.memory_space<hbm>>
      %dma_wait3A_388 = tpu.memref_slice %arg3[%mul3A_2] : memref<16384xi32, #tpu.memory_space<hbm>> -> memref<512xi32, #tpu.memory_space<hbm>>
      tpu.wait_dma2 semaphore(%run_scoped3A : memref<!tpu.dma_semaphore, #tpu.memory_space<semaphore_mem>>) src(%dma_wait3A_388 : memref<512xi32, #tpu.memory_space<hbm>>) dst(%arg9 : memref<512xi32, #tpu.memory_space<vmem>>)
      tpu.yield
    }) : () -> ()
    %dma_start3A_42 = arith.constant 4 : i32
    %dma_start3A_43 = arith.constant 0 : i32
    %dma_start3A_44 = arith.constant 0 : i32
    %dma_start3A_45 = tpu.memref_slice %arg10[%dma_start3A_42, %dma_start3A_43, %dma_start3A_44] : memref<7x128x128xf32, #tpu.memory_space<vmem>> -> memref<1x128x128xf32, #tpu.memory_space<vmem>>
    %dma_start3A_46 = tpu.memref_squeeze %dma_start3A_45 : memref<1x128x128xf32, #tpu.memory_space<vmem>> -> memref<128x128xf32, #tpu.memory_space<vmem>>
    %dma_start3A_47 = arith.constant 0 : i32
    %dma_start3A_48 = tpu.memref_slice %arg9[%dma_start3A_47] : memref<512xi32, #tpu.memory_space<vmem>> -> memref<128xi32, #tpu.memory_space<vmem>>
    %dma_start3A_49 = arith.constant 0 : i32
    %dma_start3A_50 = arith.constant 0 : i32
    %dma_start3A_51 = tpu.memref_slice %arg5[%dma_start3A_49, %dma_start3A_50] : memref<100000x128xf32, #tpu.memory_space<hbm>> -> memref<100000x128xf32, #tpu.memory_space<hbm>>
    tpu.enqueue_indirect_dma source(%dma_start3A_51 : memref<100000x128xf32, #tpu.memory_space<hbm>>) target(%dma_start3A_46 : memref<128x128xf32, #tpu.memory_space<vmem>>) offsets(%dma_start3A_48 : memref<128xi32, #tpu.memory_space<vmem>>) semaphore(%arg11 : memref<!tpu.dma_semaphore, #tpu.memory_space<semaphore_mem>>)
    %dma_start3A_52 = arith.constant 5 : i32
    %dma_start3A_53 = arith.constant 0 : i32
    %dma_start3A_54 = arith.constant 0 : i32
    %dma_start3A_55 = tpu.memref_slice %arg10[%dma_start3A_52, %dma_start3A_53, %dma_start3A_54] : memref<7x128x128xf32, #tpu.memory_space<vmem>> -> memref<1x128x128xf32, #tpu.memory_space<vmem>>
    %dma_start3A_56 = tpu.memref_squeeze %dma_start3A_55 : memref<1x128x128xf32, #tpu.memory_space<vmem>> -> memref<128x128xf32, #tpu.memory_space<vmem>>
    %dma_start3A_57 = arith.constant 128 : i32
    %dma_start3A_58 = tpu.memref_slice %arg9[%dma_start3A_57] : memref<512xi32, #tpu.memory_space<vmem>> -> memref<128xi32, #tpu.memory_space<vmem>>
    %dma_start3A_59 = arith.constant 0 : i32
    %dma_start3A_60 = arith.constant 0 : i32
    %dma_start3A_61 = tpu.memref_slice %arg5[%dma_start3A_59, %dma_start3A_60] : memref<100000x128xf32, #tpu.memory_space<hbm>> -> memref<100000x128xf32, #tpu.memory_space<hbm>>
    tpu.enqueue_indirect_dma source(%dma_start3A_61 : memref<100000x128xf32, #tpu.memory_space<hbm>>) target(%dma_start3A_56 : memref<128x128xf32, #tpu.memory_space<vmem>>) offsets(%dma_start3A_58 : memref<128xi32, #tpu.memory_space<vmem>>) semaphore(%arg11 : memref<!tpu.dma_semaphore, #tpu.memory_space<semaphore_mem>>)
    %dma_start3A_62 = arith.constant 6 : i32
    %dma_start3A_63 = arith.constant 0 : i32
    %dma_start3A_64 = arith.constant 0 : i32
    %dma_start3A_65 = tpu.memref_slice %arg10[%dma_start3A_62, %dma_start3A_63, %dma_start3A_64] : memref<7x128x128xf32, #tpu.memory_space<vmem>> -> memref<1x128x128xf32, #tpu.memory_space<vmem>>
    %dma_start3A_66 = tpu.memref_squeeze %dma_start3A_65 : memref<1x128x128xf32, #tpu.memory_space<vmem>> -> memref<128x128xf32, #tpu.memory_space<vmem>>
    %dma_start3A_67 = arith.constant 256 : i32
    %dma_start3A_68 = tpu.memref_slice %arg9[%dma_start3A_67] : memref<512xi32, #tpu.memory_space<vmem>> -> memref<128xi32, #tpu.memory_space<vmem>>
    %dma_start3A_69 = arith.constant 0 : i32
    %dma_start3A_70 = arith.constant 0 : i32
    %dma_start3A_71 = tpu.memref_slice %arg5[%dma_start3A_69, %dma_start3A_70] : memref<100000x128xf32, #tpu.memory_space<hbm>> -> memref<100000x128xf32, #tpu.memory_space<hbm>>
    tpu.enqueue_indirect_dma source(%dma_start3A_71 : memref<100000x128xf32, #tpu.memory_space<hbm>>) target(%dma_start3A_66 : memref<128x128xf32, #tpu.memory_space<vmem>>) offsets(%dma_start3A_68 : memref<128xi32, #tpu.memory_space<vmem>>) semaphore(%arg11 : memref<!tpu.dma_semaphore, #tpu.memory_space<semaphore_mem>>)
    %dma_wait3A = arith.constant 0 : i32
    %dma_wait3A_72 = arith.constant 0 : i32
    %dma_wait3A_73 = arith.constant 0 : i32
    %dma_wait3A_74 = tpu.memref_slice %arg10[%dma_wait3A, %dma_wait3A_72, %dma_wait3A_73] : memref<7x128x128xf32, #tpu.memory_space<vmem>> -> memref<1x128x128xf32, #tpu.memory_space<vmem>>
    %dma_wait3A_75 = tpu.memref_squeeze %dma_wait3A_74 : memref<1x128x128xf32, #tpu.memory_space<vmem>> -> memref<128x128xf32, #tpu.memory_space<vmem>>
    %dma_wait3A_76 = arith.constant 0 : i32
    %dma_wait3A_77 = tpu.memref_slice %arg8[%dma_wait3A_76] : memref<512xi32, #tpu.memory_space<vmem>> -> memref<128xi32, #tpu.memory_space<vmem>>
    %dma_wait3A_78 = arith.constant 0 : i32
    %dma_wait3A_79 = arith.constant 0 : i32
    %dma_wait3A_80 = tpu.memref_slice %arg4[%dma_wait3A_78, %dma_wait3A_79] : memref<100000x128xf32, #tpu.memory_space<hbm>> -> memref<100000x128xf32, #tpu.memory_space<hbm>>
    tpu.wait_indirect_dma semaphore(%arg11 : memref<!tpu.dma_semaphore, #tpu.memory_space<semaphore_mem>>) src(%dma_wait3A_80 : memref<100000x128xf32, #tpu.memory_space<hbm>>) dst(%dma_wait3A_75 : memref<128x128xf32, #tpu.memory_space<vmem>>)
    %add3A_81 = arith.constant 0 : i32
    %add3A_82 = arith.addi %mul3A_2, %add3A_81 : i32
    %dma_start3A_83 = arith.constant 0 : i32
    %dma_start3A_84 = arith.constant 0 : i32
    %dma_start3A_85 = arith.constant 0 : i32
    %dma_start3A_86 = tpu.memref_slice %arg10[%dma_start3A_83, %dma_start3A_84, %dma_start3A_85] : memref<7x128x128xf32, #tpu.memory_space<vmem>> -> memref<1x128x128xf32, #tpu.memory_space<vmem>>
    %dma_start3A_87 = tpu.memref_squeeze %dma_start3A_86 : memref<1x128x128xf32, #tpu.memory_space<vmem>> -> memref<128x128xf32, #tpu.memory_space<vmem>>
    %dma_start3A_88 = arith.constant 0 : i32
    %dma_start3A_89 = tpu.memref_slice %arg6[%add3A_82, %dma_start3A_88] : memref<16384x128xf32, #tpu.memory_space<hbm>> -> memref<128x128xf32, #tpu.memory_space<hbm>>
    %dma_start3A_90 = arith.constant 0 : i32
    %dma_start3A_91 = tpu.memref_slice %arg6[%add3A_82, %dma_start3A_90] : memref<16384x128xf32, #tpu.memory_space<hbm>> -> memref<128x128xf32, #tpu.memory_space<hbm>>
    %dma_start3A_92 = arith.constant 0 : i32
    %dma_start3A_93 = arith.constant 0 : i32
    %dma_start3A_94 = tpu.memref_slice %arg10[%dma_start3A_83, %dma_start3A_92, %dma_start3A_93] : memref<7x128x128xf32, #tpu.memory_space<vmem>> -> memref<1x128x128xf32, #tpu.memory_space<vmem>>
    %dma_start3A_95 = tpu.memref_squeeze %dma_start3A_94 : memref<1x128x128xf32, #tpu.memory_space<vmem>> -> memref<128x128xf32, #tpu.memory_space<vmem>>
    tpu.enqueue_dma source(%dma_start3A_95 : memref<128x128xf32, #tpu.memory_space<vmem>>) target(%dma_start3A_91 : memref<128x128xf32, #tpu.memory_space<hbm>>) target_semaphore(%arg12 : memref<!tpu.dma_semaphore, #tpu.memory_space<semaphore_mem>>)
    %dma_wait3A_96 = arith.constant 0 : i32
    %dma_wait3A_97 = arith.constant 0 : i32
    %dma_wait3A_98 = arith.constant 0 : i32
    %dma_wait3A_99 = tpu.memref_slice %arg10[%dma_wait3A_96, %dma_wait3A_97, %dma_wait3A_98] : memref<7x128x128xf32, #tpu.memory_space<vmem>> -> memref<1x128x128xf32, #tpu.memory_space<vmem>>
    %dma_wait3A_100 = tpu.memref_squeeze %dma_wait3A_99 : memref<1x128x128xf32, #tpu.memory_space<vmem>> -> memref<128x128xf32, #tpu.memory_space<vmem>>
    %dma_wait3A_101 = arith.constant 0 : i32
    %dma_wait3A_102 = tpu.memref_slice %arg6[%add3A_82, %dma_wait3A_101] : memref<16384x128xf32, #tpu.memory_space<hbm>> -> memref<128x128xf32, #tpu.memory_space<hbm>>
    %dma_wait3A_103 = arith.constant 0 : i32
    %dma_wait3A_104 = tpu.memref_slice %arg6[%add3A_82, %dma_wait3A_103] : memref<16384x128xf32, #tpu.memory_space<hbm>> -> memref<128x128xf32, #tpu.memory_space<hbm>>
    %dma_wait3A_105 = arith.constant 0 : i32
    %dma_wait3A_106 = arith.constant 0 : i32
    %dma_wait3A_107 = tpu.memref_slice %arg10[%dma_wait3A_96, %dma_wait3A_105, %dma_wait3A_106] : memref<7x128x128xf32, #tpu.memory_space<vmem>> -> memref<1x128x128xf32, #tpu.memory_space<vmem>>
    %dma_wait3A_108 = tpu.memref_squeeze %dma_wait3A_107 : memref<1x128x128xf32, #tpu.memory_space<vmem>> -> memref<128x128xf32, #tpu.memory_space<vmem>>
    tpu.wait_dma2 semaphore(%arg12 : memref<!tpu.dma_semaphore, #tpu.memory_space<semaphore_mem>>) src(%dma_wait3A_108 : memref<128x128xf32, #tpu.memory_space<vmem>>) dst(%dma_wait3A_104 : memref<128x128xf32, #tpu.memory_space<hbm>>)
    %dma_start3A_109 = arith.constant 0 : i32
    %dma_start3A_110 = arith.constant 0 : i32
    %dma_start3A_111 = arith.constant 0 : i32
    %dma_start3A_112 = tpu.memref_slice %arg10[%dma_start3A_109, %dma_start3A_110, %dma_start3A_111] : memref<7x128x128xf32, #tpu.memory_space<vmem>> -> memref<1x128x128xf32, #tpu.memory_space<vmem>>
    %dma_start3A_113 = tpu.memref_squeeze %dma_start3A_112 : memref<1x128x128xf32, #tpu.memory_space<vmem>> -> memref<128x128xf32, #tpu.memory_space<vmem>>
    %dma_start3A_114 = arith.constant 384 : i32
    %dma_start3A_115 = tpu.memref_slice %arg9[%dma_start3A_114] : memref<512xi32, #tpu.memory_space<vmem>> -> memref<128xi32, #tpu.memory_space<vmem>>
    %dma_start3A_116 = arith.constant 0 : i32
    %dma_start3A_117 = arith.constant 0 : i32
    %dma_start3A_118 = tpu.memref_slice %arg5[%dma_start3A_116, %dma_start3A_117] : memref<100000x128xf32, #tpu.memory_space<hbm>> -> memref<100000x128xf32, #tpu.memory_space<hbm>>
    tpu.enqueue_indirect_dma source(%dma_start3A_118 : memref<100000x128xf32, #tpu.memory_space<hbm>>) target(%dma_start3A_113 : memref<128x128xf32, #tpu.memory_space<vmem>>) offsets(%dma_start3A_115 : memref<128xi32, #tpu.memory_space<vmem>>) semaphore(%arg11 : memref<!tpu.dma_semaphore, #tpu.memory_space<semaphore_mem>>)
    %dma_wait3A_119 = arith.constant 1 : i32
    %dma_wait3A_120 = arith.constant 0 : i32
    %dma_wait3A_121 = arith.constant 0 : i32
    %dma_wait3A_122 = tpu.memref_slice %arg10[%dma_wait3A_119, %dma_wait3A_120, %dma_wait3A_121] : memref<7x128x128xf32, #tpu.memory_space<vmem>> -> memref<1x128x128xf32, #tpu.memory_space<vmem>>
    %dma_wait3A_123 = tpu.memref_squeeze %dma_wait3A_122 : memref<1x128x128xf32, #tpu.memory_space<vmem>> -> memref<128x128xf32, #tpu.memory_space<vmem>>
    %dma_wait3A_124 = arith.constant 128 : i32
    %dma_wait3A_125 = tpu.memref_slice %arg8[%dma_wait3A_124] : memref<512xi32, #tpu.memory_space<vmem>> -> memref<128xi32, #tpu.memory_space<vmem>>
    %dma_wait3A_126 = arith.constant 0 : i32
    %dma_wait3A_127 = arith.constant 0 : i32
    %dma_wait3A_128 = tpu.memref_slice %arg4[%dma_wait3A_126, %dma_wait3A_127] : memref<100000x128xf32, #tpu.memory_space<hbm>> -> memref<100000x128xf32, #tpu.memory_space<hbm>>
    tpu.wait_indirect_dma semaphore(%arg11 : memref<!tpu.dma_semaphore, #tpu.memory_space<semaphore_mem>>) src(%dma_wait3A_128 : memref<100000x128xf32, #tpu.memory_space<hbm>>) dst(%dma_wait3A_123 : memref<128x128xf32, #tpu.memory_space<vmem>>)
    %add3A_129 = arith.constant 128 : i32
    %add3A_130 = arith.addi %mul3A_2, %add3A_129 : i32
    %dma_start3A_131 = arith.constant 1 : i32
    %dma_start3A_132 = arith.constant 0 : i32
    %dma_start3A_133 = arith.constant 0 : i32
    %dma_start3A_134 = tpu.memref_slice %arg10[%dma_start3A_131, %dma_start3A_132, %dma_start3A_133] : memref<7x128x128xf32, #tpu.memory_space<vmem>> -> memref<1x128x128xf32, #tpu.memory_space<vmem>>
    %dma_start3A_135 = tpu.memref_squeeze %dma_start3A_134 : memref<1x128x128xf32, #tpu.memory_space<vmem>> -> memref<128x128xf32, #tpu.memory_space<vmem>>
    %dma_start3A_136 = arith.constant 0 : i32
    %dma_start3A_137 = tpu.memref_slice %arg6[%add3A_130, %dma_start3A_136] : memref<16384x128xf32, #tpu.memory_space<hbm>> -> memref<128x128xf32, #tpu.memory_space<hbm>>
    %dma_start3A_138 = arith.constant 0 : i32
    %dma_start3A_139 = tpu.memref_slice %arg6[%add3A_130, %dma_start3A_138] : memref<16384x128xf32, #tpu.memory_space<hbm>> -> memref<128x128xf32, #tpu.memory_space<hbm>>
    %dma_start3A_140 = arith.constant 0 : i32
    %dma_start3A_141 = arith.constant 0 : i32
    %dma_start3A_142 = tpu.memref_slice %arg10[%dma_start3A_131, %dma_start3A_140, %dma_start3A_141] : memref<7x128x128xf32, #tpu.memory_space<vmem>> -> memref<1x128x128xf32, #tpu.memory_space<vmem>>
    %dma_start3A_143 = tpu.memref_squeeze %dma_start3A_142 : memref<1x128x128xf32, #tpu.memory_space<vmem>> -> memref<128x128xf32, #tpu.memory_space<vmem>>
    tpu.enqueue_dma source(%dma_start3A_143 : memref<128x128xf32, #tpu.memory_space<vmem>>) target(%dma_start3A_139 : memref<128x128xf32, #tpu.memory_space<hbm>>) target_semaphore(%arg12 : memref<!tpu.dma_semaphore, #tpu.memory_space<semaphore_mem>>)
    %dma_wait3A_144 = arith.constant 2 : i32
    %dma_wait3A_145 = arith.constant 0 : i32
    %dma_wait3A_146 = arith.constant 0 : i32
    %dma_wait3A_147 = tpu.memref_slice %arg10[%dma_wait3A_144, %dma_wait3A_145, %dma_wait3A_146] : memref<7x128x128xf32, #tpu.memory_space<vmem>> -> memref<1x128x128xf32, #tpu.memory_space<vmem>>
    %dma_wait3A_148 = tpu.memref_squeeze %dma_wait3A_147 : memref<1x128x128xf32, #tpu.memory_space<vmem>> -> memref<128x128xf32, #tpu.memory_space<vmem>>
    %dma_wait3A_149 = arith.constant 256 : i32
    %dma_wait3A_150 = tpu.memref_slice %arg8[%dma_wait3A_149] : memref<512xi32, #tpu.memory_space<vmem>> -> memref<128xi32, #tpu.memory_space<vmem>>
    %dma_wait3A_151 = arith.constant 0 : i32
    %dma_wait3A_152 = arith.constant 0 : i32
    %dma_wait3A_153 = tpu.memref_slice %arg4[%dma_wait3A_151, %dma_wait3A_152] : memref<100000x128xf32, #tpu.memory_space<hbm>> -> memref<100000x128xf32, #tpu.memory_space<hbm>>
    tpu.wait_indirect_dma semaphore(%arg11 : memref<!tpu.dma_semaphore, #tpu.memory_space<semaphore_mem>>) src(%dma_wait3A_153 : memref<100000x128xf32, #tpu.memory_space<hbm>>) dst(%dma_wait3A_148 : memref<128x128xf32, #tpu.memory_space<vmem>>)
    %add3A_154 = arith.constant 256 : i32
    %add3A_155 = arith.addi %mul3A_2, %add3A_154 : i32
    %dma_start3A_156 = arith.constant 2 : i32
    %dma_start3A_157 = arith.constant 0 : i32
    %dma_start3A_158 = arith.constant 0 : i32
    %dma_start3A_159 = tpu.memref_slice %arg10[%dma_start3A_156, %dma_start3A_157, %dma_start3A_158] : memref<7x128x128xf32, #tpu.memory_space<vmem>> -> memref<1x128x128xf32, #tpu.memory_space<vmem>>
    %dma_start3A_160 = tpu.memref_squeeze %dma_start3A_159 : memref<1x128x128xf32, #tpu.memory_space<vmem>> -> memref<128x128xf32, #tpu.memory_space<vmem>>
    %dma_start3A_161 = arith.constant 0 : i32
    %dma_start3A_162 = tpu.memref_slice %arg6[%add3A_155, %dma_start3A_161] : memref<16384x128xf32, #tpu.memory_space<hbm>> -> memref<128x128xf32, #tpu.memory_space<hbm>>
    %dma_start3A_163 = arith.constant 0 : i32
    %dma_start3A_164 = tpu.memref_slice %arg6[%add3A_155, %dma_start3A_163] : memref<16384x128xf32, #tpu.memory_space<hbm>> -> memref<128x128xf32, #tpu.memory_space<hbm>>
    %dma_start3A_165 = arith.constant 0 : i32
    %dma_start3A_166 = arith.constant 0 : i32
    %dma_start3A_167 = tpu.memref_slice %arg10[%dma_start3A_156, %dma_start3A_165, %dma_start3A_166] : memref<7x128x128xf32, #tpu.memory_space<vmem>> -> memref<1x128x128xf32, #tpu.memory_space<vmem>>
    %dma_start3A_168 = tpu.memref_squeeze %dma_start3A_167 : memref<1x128x128xf32, #tpu.memory_space<vmem>> -> memref<128x128xf32, #tpu.memory_space<vmem>>
    tpu.enqueue_dma source(%dma_start3A_168 : memref<128x128xf32, #tpu.memory_space<vmem>>) target(%dma_start3A_164 : memref<128x128xf32, #tpu.memory_space<hbm>>) target_semaphore(%arg12 : memref<!tpu.dma_semaphore, #tpu.memory_space<semaphore_mem>>)
    %dma_wait3A_169 = arith.constant 3 : i32
    %dma_wait3A_170 = arith.constant 0 : i32
    %dma_wait3A_171 = arith.constant 0 : i32
    %dma_wait3A_172 = tpu.memref_slice %arg10[%dma_wait3A_169, %dma_wait3A_170, %dma_wait3A_171] : memref<7x128x128xf32, #tpu.memory_space<vmem>> -> memref<1x128x128xf32, #tpu.memory_space<vmem>>
    %dma_wait3A_173 = tpu.memref_squeeze %dma_wait3A_172 : memref<1x128x128xf32, #tpu.memory_space<vmem>> -> memref<128x128xf32, #tpu.memory_space<vmem>>
    %dma_wait3A_174 = arith.constant 384 : i32
    %dma_wait3A_175 = tpu.memref_slice %arg8[%dma_wait3A_174] : memref<512xi32, #tpu.memory_space<vmem>> -> memref<128xi32, #tpu.memory_space<vmem>>
    %dma_wait3A_176 = arith.constant 0 : i32
    %dma_wait3A_177 = arith.constant 0 : i32
    %dma_wait3A_178 = tpu.memref_slice %arg4[%dma_wait3A_176, %dma_wait3A_177] : memref<100000x128xf32, #tpu.memory_space<hbm>> -> memref<100000x128xf32, #tpu.memory_space<hbm>>
    tpu.wait_indirect_dma semaphore(%arg11 : memref<!tpu.dma_semaphore, #tpu.memory_space<semaphore_mem>>) src(%dma_wait3A_178 : memref<100000x128xf32, #tpu.memory_space<hbm>>) dst(%dma_wait3A_173 : memref<128x128xf32, #tpu.memory_space<vmem>>)
    %add3A_179 = arith.constant 384 : i32
    %add3A_180 = arith.addi %mul3A_2, %add3A_179 : i32
    %dma_start3A_181 = arith.constant 3 : i32
    %dma_start3A_182 = arith.constant 0 : i32
    %dma_start3A_183 = arith.constant 0 : i32
    %dma_start3A_184 = tpu.memref_slice %arg10[%dma_start3A_181, %dma_start3A_182, %dma_start3A_183] : memref<7x128x128xf32, #tpu.memory_space<vmem>> -> memref<1x128x128xf32, #tpu.memory_space<vmem>>
    %dma_start3A_185 = tpu.memref_squeeze %dma_start3A_184 : memref<1x128x128xf32, #tpu.memory_space<vmem>> -> memref<128x128xf32, #tpu.memory_space<vmem>>
    %dma_start3A_186 = arith.constant 0 : i32
    %dma_start3A_187 = tpu.memref_slice %arg6[%add3A_180, %dma_start3A_186] : memref<16384x128xf32, #tpu.memory_space<hbm>> -> memref<128x128xf32, #tpu.memory_space<hbm>>
    %dma_start3A_188 = arith.constant 0 : i32
    %dma_start3A_189 = tpu.memref_slice %arg6[%add3A_180, %dma_start3A_188] : memref<16384x128xf32, #tpu.memory_space<hbm>> -> memref<128x128xf32, #tpu.memory_space<hbm>>
    %dma_start3A_190 = arith.constant 0 : i32
    %dma_start3A_191 = arith.constant 0 : i32
    %dma_start3A_192 = tpu.memref_slice %arg10[%dma_start3A_181, %dma_start3A_190, %dma_start3A_191] : memref<7x128x128xf32, #tpu.memory_space<vmem>> -> memref<1x128x128xf32, #tpu.memory_space<vmem>>
    %dma_start3A_193 = tpu.memref_squeeze %dma_start3A_192 : memref<1x128x128xf32, #tpu.memory_space<vmem>> -> memref<128x128xf32, #tpu.memory_space<vmem>>
    tpu.enqueue_dma source(%dma_start3A_193 : memref<128x128xf32, #tpu.memory_space<vmem>>) target(%dma_start3A_189 : memref<128x128xf32, #tpu.memory_space<hbm>>) target_semaphore(%arg12 : memref<!tpu.dma_semaphore, #tpu.memory_space<semaphore_mem>>)
    %dma_wait3A_194 = arith.constant 4 : i32
    %dma_wait3A_195 = arith.constant 0 : i32
    %dma_wait3A_196 = arith.constant 0 : i32
    %dma_wait3A_197 = tpu.memref_slice %arg10[%dma_wait3A_194, %dma_wait3A_195, %dma_wait3A_196] : memref<7x128x128xf32, #tpu.memory_space<vmem>> -> memref<1x128x128xf32, #tpu.memory_space<vmem>>
    %dma_wait3A_198 = tpu.memref_squeeze %dma_wait3A_197 : memref<1x128x128xf32, #tpu.memory_space<vmem>> -> memref<128x128xf32, #tpu.memory_space<vmem>>
    %dma_wait3A_199 = arith.constant 0 : i32
    %dma_wait3A_200 = tpu.memref_slice %arg9[%dma_wait3A_199] : memref<512xi32, #tpu.memory_space<vmem>> -> memref<128xi32, #tpu.memory_space<vmem>>
    %dma_wait3A_201 = arith.constant 0 : i32
    %dma_wait3A_202 = arith.constant 0 : i32
    %dma_wait3A_203 = tpu.memref_slice %arg5[%dma_wait3A_201, %dma_wait3A_202] : memref<100000x128xf32, #tpu.memory_space<hbm>> -> memref<100000x128xf32, #tpu.memory_space<hbm>>
    tpu.wait_indirect_dma semaphore(%arg11 : memref<!tpu.dma_semaphore, #tpu.memory_space<semaphore_mem>>) src(%dma_wait3A_203 : memref<100000x128xf32, #tpu.memory_space<hbm>>) dst(%dma_wait3A_198 : memref<128x128xf32, #tpu.memory_space<vmem>>)
    %add3A_204 = arith.constant 0 : i32
    %add3A_205 = arith.addi %mul3A_2, %add3A_204 : i32
    %dma_start3A_206 = arith.constant 4 : i32
    %dma_start3A_207 = arith.constant 0 : i32
    %dma_start3A_208 = arith.constant 0 : i32
    %dma_start3A_209 = tpu.memref_slice %arg10[%dma_start3A_206, %dma_start3A_207, %dma_start3A_208] : memref<7x128x128xf32, #tpu.memory_space<vmem>> -> memref<1x128x128xf32, #tpu.memory_space<vmem>>
    %dma_start3A_210 = tpu.memref_squeeze %dma_start3A_209 : memref<1x128x128xf32, #tpu.memory_space<vmem>> -> memref<128x128xf32, #tpu.memory_space<vmem>>
    %dma_start3A_211 = arith.constant 0 : i32
    %dma_start3A_212 = tpu.memref_slice %arg7[%add3A_205, %dma_start3A_211] : memref<16384x128xf32, #tpu.memory_space<hbm>> -> memref<128x128xf32, #tpu.memory_space<hbm>>
    %dma_start3A_213 = arith.constant 0 : i32
    %dma_start3A_214 = tpu.memref_slice %arg7[%add3A_205, %dma_start3A_213] : memref<16384x128xf32, #tpu.memory_space<hbm>> -> memref<128x128xf32, #tpu.memory_space<hbm>>
    %dma_start3A_215 = arith.constant 0 : i32
    %dma_start3A_216 = arith.constant 0 : i32
    %dma_start3A_217 = tpu.memref_slice %arg10[%dma_start3A_206, %dma_start3A_215, %dma_start3A_216] : memref<7x128x128xf32, #tpu.memory_space<vmem>> -> memref<1x128x128xf32, #tpu.memory_space<vmem>>
    %dma_start3A_218 = tpu.memref_squeeze %dma_start3A_217 : memref<1x128x128xf32, #tpu.memory_space<vmem>> -> memref<128x128xf32, #tpu.memory_space<vmem>>
    tpu.enqueue_dma source(%dma_start3A_218 : memref<128x128xf32, #tpu.memory_space<vmem>>) target(%dma_start3A_214 : memref<128x128xf32, #tpu.memory_space<hbm>>) target_semaphore(%arg12 : memref<!tpu.dma_semaphore, #tpu.memory_space<semaphore_mem>>)
    %dma_wait3A_219 = arith.constant 5 : i32
    %dma_wait3A_220 = arith.constant 0 : i32
    %dma_wait3A_221 = arith.constant 0 : i32
    %dma_wait3A_222 = tpu.memref_slice %arg10[%dma_wait3A_219, %dma_wait3A_220, %dma_wait3A_221] : memref<7x128x128xf32, #tpu.memory_space<vmem>> -> memref<1x128x128xf32, #tpu.memory_space<vmem>>
    %dma_wait3A_223 = tpu.memref_squeeze %dma_wait3A_222 : memref<1x128x128xf32, #tpu.memory_space<vmem>> -> memref<128x128xf32, #tpu.memory_space<vmem>>
    %dma_wait3A_224 = arith.constant 128 : i32
    %dma_wait3A_225 = tpu.memref_slice %arg9[%dma_wait3A_224] : memref<512xi32, #tpu.memory_space<vmem>> -> memref<128xi32, #tpu.memory_space<vmem>>
    %dma_wait3A_226 = arith.constant 0 : i32
    %dma_wait3A_227 = arith.constant 0 : i32
    %dma_wait3A_228 = tpu.memref_slice %arg5[%dma_wait3A_226, %dma_wait3A_227] : memref<100000x128xf32, #tpu.memory_space<hbm>> -> memref<100000x128xf32, #tpu.memory_space<hbm>>
    tpu.wait_indirect_dma semaphore(%arg11 : memref<!tpu.dma_semaphore, #tpu.memory_space<semaphore_mem>>) src(%dma_wait3A_228 : memref<100000x128xf32, #tpu.memory_space<hbm>>) dst(%dma_wait3A_223 : memref<128x128xf32, #tpu.memory_space<vmem>>)
    %add3A_229 = arith.constant 128 : i32
    %add3A_230 = arith.addi %mul3A_2, %add3A_229 : i32
    %dma_start3A_231 = arith.constant 5 : i32
    %dma_start3A_232 = arith.constant 0 : i32
    %dma_start3A_233 = arith.constant 0 : i32
    %dma_start3A_234 = tpu.memref_slice %arg10[%dma_start3A_231, %dma_start3A_232, %dma_start3A_233] : memref<7x128x128xf32, #tpu.memory_space<vmem>> -> memref<1x128x128xf32, #tpu.memory_space<vmem>>
    %dma_start3A_235 = tpu.memref_squeeze %dma_start3A_234 : memref<1x128x128xf32, #tpu.memory_space<vmem>> -> memref<128x128xf32, #tpu.memory_space<vmem>>
    %dma_start3A_236 = arith.constant 0 : i32
    %dma_start3A_237 = tpu.memref_slice %arg7[%add3A_230, %dma_start3A_236] : memref<16384x128xf32, #tpu.memory_space<hbm>> -> memref<128x128xf32, #tpu.memory_space<hbm>>
    %dma_start3A_238 = arith.constant 0 : i32
    %dma_start3A_239 = tpu.memref_slice %arg7[%add3A_230, %dma_start3A_238] : memref<16384x128xf32, #tpu.memory_space<hbm>> -> memref<128x128xf32, #tpu.memory_space<hbm>>
    %dma_start3A_240 = arith.constant 0 : i32
    %dma_start3A_241 = arith.constant 0 : i32
    %dma_start3A_242 = tpu.memref_slice %arg10[%dma_start3A_231, %dma_start3A_240, %dma_start3A_241] : memref<7x128x128xf32, #tpu.memory_space<vmem>> -> memref<1x128x128xf32, #tpu.memory_space<vmem>>
    %dma_start3A_243 = tpu.memref_squeeze %dma_start3A_242 : memref<1x128x128xf32, #tpu.memory_space<vmem>> -> memref<128x128xf32, #tpu.memory_space<vmem>>
    tpu.enqueue_dma source(%dma_start3A_243 : memref<128x128xf32, #tpu.memory_space<vmem>>) target(%dma_start3A_239 : memref<128x128xf32, #tpu.memory_space<hbm>>) target_semaphore(%arg12 : memref<!tpu.dma_semaphore, #tpu.memory_space<semaphore_mem>>)
    %dma_wait3A_244 = arith.constant 6 : i32
    %dma_wait3A_245 = arith.constant 0 : i32
    %dma_wait3A_246 = arith.constant 0 : i32
    %dma_wait3A_247 = tpu.memref_slice %arg10[%dma_wait3A_244, %dma_wait3A_245, %dma_wait3A_246] : memref<7x128x128xf32, #tpu.memory_space<vmem>> -> memref<1x128x128xf32, #tpu.memory_space<vmem>>
    %dma_wait3A_248 = tpu.memref_squeeze %dma_wait3A_247 : memref<1x128x128xf32, #tpu.memory_space<vmem>> -> memref<128x128xf32, #tpu.memory_space<vmem>>
    %dma_wait3A_249 = arith.constant 256 : i32
    %dma_wait3A_250 = tpu.memref_slice %arg9[%dma_wait3A_249] : memref<512xi32, #tpu.memory_space<vmem>> -> memref<128xi32, #tpu.memory_space<vmem>>
    %dma_wait3A_251 = arith.constant 0 : i32
    %dma_wait3A_252 = arith.constant 0 : i32
    %dma_wait3A_253 = tpu.memref_slice %arg5[%dma_wait3A_251, %dma_wait3A_252] : memref<100000x128xf32, #tpu.memory_space<hbm>> -> memref<100000x128xf32, #tpu.memory_space<hbm>>
    tpu.wait_indirect_dma semaphore(%arg11 : memref<!tpu.dma_semaphore, #tpu.memory_space<semaphore_mem>>) src(%dma_wait3A_253 : memref<100000x128xf32, #tpu.memory_space<hbm>>) dst(%dma_wait3A_248 : memref<128x128xf32, #tpu.memory_space<vmem>>)
    %add3A_254 = arith.constant 256 : i32
    %add3A_255 = arith.addi %mul3A_2, %add3A_254 : i32
    %dma_start3A_256 = arith.constant 6 : i32
    %dma_start3A_257 = arith.constant 0 : i32
    %dma_start3A_258 = arith.constant 0 : i32
    %dma_start3A_259 = tpu.memref_slice %arg10[%dma_start3A_256, %dma_start3A_257, %dma_start3A_258] : memref<7x128x128xf32, #tpu.memory_space<vmem>> -> memref<1x128x128xf32, #tpu.memory_space<vmem>>
    %dma_start3A_260 = tpu.memref_squeeze %dma_start3A_259 : memref<1x128x128xf32, #tpu.memory_space<vmem>> -> memref<128x128xf32, #tpu.memory_space<vmem>>
    %dma_start3A_261 = arith.constant 0 : i32
    %dma_start3A_262 = tpu.memref_slice %arg7[%add3A_255, %dma_start3A_261] : memref<16384x128xf32, #tpu.memory_space<hbm>> -> memref<128x128xf32, #tpu.memory_space<hbm>>
    %dma_start3A_263 = arith.constant 0 : i32
    %dma_start3A_264 = tpu.memref_slice %arg7[%add3A_255, %dma_start3A_263] : memref<16384x128xf32, #tpu.memory_space<hbm>> -> memref<128x128xf32, #tpu.memory_space<hbm>>
    %dma_start3A_265 = arith.constant 0 : i32
    %dma_start3A_266 = arith.constant 0 : i32
    %dma_start3A_267 = tpu.memref_slice %arg10[%dma_start3A_256, %dma_start3A_265, %dma_start3A_266] : memref<7x128x128xf32, #tpu.memory_space<vmem>> -> memref<1x128x128xf32, #tpu.memory_space<vmem>>
    %dma_start3A_268 = tpu.memref_squeeze %dma_start3A_267 : memref<1x128x128xf32, #tpu.memory_space<vmem>> -> memref<128x128xf32, #tpu.memory_space<vmem>>
    tpu.enqueue_dma source(%dma_start3A_268 : memref<128x128xf32, #tpu.memory_space<vmem>>) target(%dma_start3A_264 : memref<128x128xf32, #tpu.memory_space<hbm>>) target_semaphore(%arg12 : memref<!tpu.dma_semaphore, #tpu.memory_space<semaphore_mem>>)
    %dma_wait3A_269 = arith.constant 0 : i32
    %dma_wait3A_270 = arith.constant 0 : i32
    %dma_wait3A_271 = arith.constant 0 : i32
    %dma_wait3A_272 = tpu.memref_slice %arg10[%dma_wait3A_269, %dma_wait3A_270, %dma_wait3A_271] : memref<7x128x128xf32, #tpu.memory_space<vmem>> -> memref<1x128x128xf32, #tpu.memory_space<vmem>>
    %dma_wait3A_273 = tpu.memref_squeeze %dma_wait3A_272 : memref<1x128x128xf32, #tpu.memory_space<vmem>> -> memref<128x128xf32, #tpu.memory_space<vmem>>
    %dma_wait3A_274 = arith.constant 384 : i32
    %dma_wait3A_275 = tpu.memref_slice %arg9[%dma_wait3A_274] : memref<512xi32, #tpu.memory_space<vmem>> -> memref<128xi32, #tpu.memory_space<vmem>>
    %dma_wait3A_276 = arith.constant 0 : i32
    %dma_wait3A_277 = arith.constant 0 : i32
    %dma_wait3A_278 = tpu.memref_slice %arg5[%dma_wait3A_276, %dma_wait3A_277] : memref<100000x128xf32, #tpu.memory_space<hbm>> -> memref<100000x128xf32, #tpu.memory_space<hbm>>
    tpu.wait_indirect_dma semaphore(%arg11 : memref<!tpu.dma_semaphore, #tpu.memory_space<semaphore_mem>>) src(%dma_wait3A_278 : memref<100000x128xf32, #tpu.memory_space<hbm>>) dst(%dma_wait3A_273 : memref<128x128xf32, #tpu.memory_space<vmem>>)
    %add3A_279 = arith.constant 384 : i32
    %add3A_280 = arith.addi %mul3A_2, %add3A_279 : i32
    %dma_start3A_281 = arith.constant 0 : i32
    %dma_start3A_282 = arith.constant 0 : i32
    %dma_start3A_283 = arith.constant 0 : i32
    %dma_start3A_284 = tpu.memref_slice %arg10[%dma_start3A_281, %dma_start3A_282, %dma_start3A_283] : memref<7x128x128xf32, #tpu.memory_space<vmem>> -> memref<1x128x128xf32, #tpu.memory_space<vmem>>
    %dma_start3A_285 = tpu.memref_squeeze %dma_start3A_284 : memref<1x128x128xf32, #tpu.memory_space<vmem>> -> memref<128x128xf32, #tpu.memory_space<vmem>>
    %dma_start3A_286 = arith.constant 0 : i32
    %dma_start3A_287 = tpu.memref_slice %arg7[%add3A_280, %dma_start3A_286] : memref<16384x128xf32, #tpu.memory_space<hbm>> -> memref<128x128xf32, #tpu.memory_space<hbm>>
    %dma_start3A_288 = arith.constant 0 : i32
    %dma_start3A_289 = tpu.memref_slice %arg7[%add3A_280, %dma_start3A_288] : memref<16384x128xf32, #tpu.memory_space<hbm>> -> memref<128x128xf32, #tpu.memory_space<hbm>>
    %dma_start3A_290 = arith.constant 0 : i32
    %dma_start3A_291 = arith.constant 0 : i32
    %dma_start3A_292 = tpu.memref_slice %arg10[%dma_start3A_281, %dma_start3A_290, %dma_start3A_291] : memref<7x128x128xf32, #tpu.memory_space<vmem>> -> memref<1x128x128xf32, #tpu.memory_space<vmem>>
    %dma_start3A_293 = tpu.memref_squeeze %dma_start3A_292 : memref<1x128x128xf32, #tpu.memory_space<vmem>> -> memref<128x128xf32, #tpu.memory_space<vmem>>
    tpu.enqueue_dma source(%dma_start3A_293 : memref<128x128xf32, #tpu.memory_space<vmem>>) target(%dma_start3A_289 : memref<128x128xf32, #tpu.memory_space<hbm>>) target_semaphore(%arg12 : memref<!tpu.dma_semaphore, #tpu.memory_space<semaphore_mem>>)
    %dma_wait3A_294 = arith.constant 1 : i32
    %dma_wait3A_295 = arith.constant 0 : i32
    %dma_wait3A_296 = arith.constant 0 : i32
    %dma_wait3A_297 = tpu.memref_slice %arg10[%dma_wait3A_294, %dma_wait3A_295, %dma_wait3A_296] : memref<7x128x128xf32, #tpu.memory_space<vmem>> -> memref<1x128x128xf32, #tpu.memory_space<vmem>>
    %dma_wait3A_298 = tpu.memref_squeeze %dma_wait3A_297 : memref<1x128x128xf32, #tpu.memory_space<vmem>> -> memref<128x128xf32, #tpu.memory_space<vmem>>
    %dma_wait3A_299 = arith.constant 0 : i32
    %dma_wait3A_300 = tpu.memref_slice %arg6[%add3A_130, %dma_wait3A_299] : memref<16384x128xf32, #tpu.memory_space<hbm>> -> memref<128x128xf32, #tpu.memory_space<hbm>>
    %dma_wait3A_301 = arith.constant 0 : i32
    %dma_wait3A_302 = tpu.memref_slice %arg6[%add3A_130, %dma_wait3A_301] : memref<16384x128xf32, #tpu.memory_space<hbm>> -> memref<128x128xf32, #tpu.memory_space<hbm>>
    %dma_wait3A_303 = arith.constant 0 : i32
    %dma_wait3A_304 = arith.constant 0 : i32
    %dma_wait3A_305 = tpu.memref_slice %arg10[%dma_wait3A_294, %dma_wait3A_303, %dma_wait3A_304] : memref<7x128x128xf32, #tpu.memory_space<vmem>> -> memref<1x128x128xf32, #tpu.memory_space<vmem>>
    %dma_wait3A_306 = tpu.memref_squeeze %dma_wait3A_305 : memref<1x128x128xf32, #tpu.memory_space<vmem>> -> memref<128x128xf32, #tpu.memory_space<vmem>>
    tpu.wait_dma2 semaphore(%arg12 : memref<!tpu.dma_semaphore, #tpu.memory_space<semaphore_mem>>) src(%dma_wait3A_306 : memref<128x128xf32, #tpu.memory_space<vmem>>) dst(%dma_wait3A_302 : memref<128x128xf32, #tpu.memory_space<hbm>>)
    %dma_wait3A_307 = arith.constant 2 : i32
    %dma_wait3A_308 = arith.constant 0 : i32
    %dma_wait3A_309 = arith.constant 0 : i32
    %dma_wait3A_310 = tpu.memref_slice %arg10[%dma_wait3A_307, %dma_wait3A_308, %dma_wait3A_309] : memref<7x128x128xf32, #tpu.memory_space<vmem>> -> memref<1x128x128xf32, #tpu.memory_space<vmem>>
    %dma_wait3A_311 = tpu.memref_squeeze %dma_wait3A_310 : memref<1x128x128xf32, #tpu.memory_space<vmem>> -> memref<128x128xf32, #tpu.memory_space<vmem>>
    %dma_wait3A_312 = arith.constant 0 : i32
    %dma_wait3A_313 = tpu.memref_slice %arg6[%add3A_155, %dma_wait3A_312] : memref<16384x128xf32, #tpu.memory_space<hbm>> -> memref<128x128xf32, #tpu.memory_space<hbm>>
    %dma_wait3A_314 = arith.constant 0 : i32
    %dma_wait3A_315 = tpu.memref_slice %arg6[%add3A_155, %dma_wait3A_314] : memref<16384x128xf32, #tpu.memory_space<hbm>> -> memref<128x128xf32, #tpu.memory_space<hbm>>
    %dma_wait3A_316 = arith.constant 0 : i32
    %dma_wait3A_317 = arith.constant 0 : i32
    %dma_wait3A_318 = tpu.memref_slice %arg10[%dma_wait3A_307, %dma_wait3A_316, %dma_wait3A_317] : memref<7x128x128xf32, #tpu.memory_space<vmem>> -> memref<1x128x128xf32, #tpu.memory_space<vmem>>
    %dma_wait3A_319 = tpu.memref_squeeze %dma_wait3A_318 : memref<1x128x128xf32, #tpu.memory_space<vmem>> -> memref<128x128xf32, #tpu.memory_space<vmem>>
    tpu.wait_dma2 semaphore(%arg12 : memref<!tpu.dma_semaphore, #tpu.memory_space<semaphore_mem>>) src(%dma_wait3A_319 : memref<128x128xf32, #tpu.memory_space<vmem>>) dst(%dma_wait3A_315 : memref<128x128xf32, #tpu.memory_space<hbm>>)
    %dma_wait3A_320 = arith.constant 3 : i32
    %dma_wait3A_321 = arith.constant 0 : i32
    %dma_wait3A_322 = arith.constant 0 : i32
    %dma_wait3A_323 = tpu.memref_slice %arg10[%dma_wait3A_320, %dma_wait3A_321, %dma_wait3A_322] : memref<7x128x128xf32, #tpu.memory_space<vmem>> -> memref<1x128x128xf32, #tpu.memory_space<vmem>>
    %dma_wait3A_324 = tpu.memref_squeeze %dma_wait3A_323 : memref<1x128x128xf32, #tpu.memory_space<vmem>> -> memref<128x128xf32, #tpu.memory_space<vmem>>
    %dma_wait3A_325 = arith.constant 0 : i32
    %dma_wait3A_326 = tpu.memref_slice %arg6[%add3A_180, %dma_wait3A_325] : memref<16384x128xf32, #tpu.memory_space<hbm>> -> memref<128x128xf32, #tpu.memory_space<hbm>>
    %dma_wait3A_327 = arith.constant 0 : i32
    %dma_wait3A_328 = tpu.memref_slice %arg6[%add3A_180, %dma_wait3A_327] : memref<16384x128xf32, #tpu.memory_space<hbm>> -> memref<128x128xf32, #tpu.memory_space<hbm>>
    %dma_wait3A_329 = arith.constant 0 : i32
    %dma_wait3A_330 = arith.constant 0 : i32
    %dma_wait3A_331 = tpu.memref_slice %arg10[%dma_wait3A_320, %dma_wait3A_329, %dma_wait3A_330] : memref<7x128x128xf32, #tpu.memory_space<vmem>> -> memref<1x128x128xf32, #tpu.memory_space<vmem>>
    %dma_wait3A_332 = tpu.memref_squeeze %dma_wait3A_331 : memref<1x128x128xf32, #tpu.memory_space<vmem>> -> memref<128x128xf32, #tpu.memory_space<vmem>>
    tpu.wait_dma2 semaphore(%arg12 : memref<!tpu.dma_semaphore, #tpu.memory_space<semaphore_mem>>) src(%dma_wait3A_332 : memref<128x128xf32, #tpu.memory_space<vmem>>) dst(%dma_wait3A_328 : memref<128x128xf32, #tpu.memory_space<hbm>>)
    %dma_wait3A_333 = arith.constant 4 : i32
    %dma_wait3A_334 = arith.constant 0 : i32
    %dma_wait3A_335 = arith.constant 0 : i32
    %dma_wait3A_336 = tpu.memref_slice %arg10[%dma_wait3A_333, %dma_wait3A_334, %dma_wait3A_335] : memref<7x128x128xf32, #tpu.memory_space<vmem>> -> memref<1x128x128xf32, #tpu.memory_space<vmem>>
    %dma_wait3A_337 = tpu.memref_squeeze %dma_wait3A_336 : memref<1x128x128xf32, #tpu.memory_space<vmem>> -> memref<128x128xf32, #tpu.memory_space<vmem>>
    %dma_wait3A_338 = arith.constant 0 : i32
    %dma_wait3A_339 = tpu.memref_slice %arg7[%add3A_205, %dma_wait3A_338] : memref<16384x128xf32, #tpu.memory_space<hbm>> -> memref<128x128xf32, #tpu.memory_space<hbm>>
    %dma_wait3A_340 = arith.constant 0 : i32
    %dma_wait3A_341 = tpu.memref_slice %arg7[%add3A_205, %dma_wait3A_340] : memref<16384x128xf32, #tpu.memory_space<hbm>> -> memref<128x128xf32, #tpu.memory_space<hbm>>
    %dma_wait3A_342 = arith.constant 0 : i32
    %dma_wait3A_343 = arith.constant 0 : i32
    %dma_wait3A_344 = tpu.memref_slice %arg10[%dma_wait3A_333, %dma_wait3A_342, %dma_wait3A_343] : memref<7x128x128xf32, #tpu.memory_space<vmem>> -> memref<1x128x128xf32, #tpu.memory_space<vmem>>
    %dma_wait3A_345 = tpu.memref_squeeze %dma_wait3A_344 : memref<1x128x128xf32, #tpu.memory_space<vmem>> -> memref<128x128xf32, #tpu.memory_space<vmem>>
    tpu.wait_dma2 semaphore(%arg12 : memref<!tpu.dma_semaphore, #tpu.memory_space<semaphore_mem>>) src(%dma_wait3A_345 : memref<128x128xf32, #tpu.memory_space<vmem>>) dst(%dma_wait3A_341 : memref<128x128xf32, #tpu.memory_space<hbm>>)
    %dma_wait3A_346 = arith.constant 5 : i32
    %dma_wait3A_347 = arith.constant 0 : i32
    %dma_wait3A_348 = arith.constant 0 : i32
    %dma_wait3A_349 = tpu.memref_slice %arg10[%dma_wait3A_346, %dma_wait3A_347, %dma_wait3A_348] : memref<7x128x128xf32, #tpu.memory_space<vmem>> -> memref<1x128x128xf32, #tpu.memory_space<vmem>>
    %dma_wait3A_350 = tpu.memref_squeeze %dma_wait3A_349 : memref<1x128x128xf32, #tpu.memory_space<vmem>> -> memref<128x128xf32, #tpu.memory_space<vmem>>
    %dma_wait3A_351 = arith.constant 0 : i32
    %dma_wait3A_352 = tpu.memref_slice %arg7[%add3A_230, %dma_wait3A_351] : memref<16384x128xf32, #tpu.memory_space<hbm>> -> memref<128x128xf32, #tpu.memory_space<hbm>>
    %dma_wait3A_353 = arith.constant 0 : i32
    %dma_wait3A_354 = tpu.memref_slice %arg7[%add3A_230, %dma_wait3A_353] : memref<16384x128xf32, #tpu.memory_space<hbm>> -> memref<128x128xf32, #tpu.memory_space<hbm>>
    %dma_wait3A_355 = arith.constant 0 : i32
    %dma_wait3A_356 = arith.constant 0 : i32
    %dma_wait3A_357 = tpu.memref_slice %arg10[%dma_wait3A_346, %dma_wait3A_355, %dma_wait3A_356] : memref<7x128x128xf32, #tpu.memory_space<vmem>> -> memref<1x128x128xf32, #tpu.memory_space<vmem>>
    %dma_wait3A_358 = tpu.memref_squeeze %dma_wait3A_357 : memref<1x128x128xf32, #tpu.memory_space<vmem>> -> memref<128x128xf32, #tpu.memory_space<vmem>>
    tpu.wait_dma2 semaphore(%arg12 : memref<!tpu.dma_semaphore, #tpu.memory_space<semaphore_mem>>) src(%dma_wait3A_358 : memref<128x128xf32, #tpu.memory_space<vmem>>) dst(%dma_wait3A_354 : memref<128x128xf32, #tpu.memory_space<hbm>>)
    %dma_wait3A_359 = arith.constant 6 : i32
    %dma_wait3A_360 = arith.constant 0 : i32
    %dma_wait3A_361 = arith.constant 0 : i32
    %dma_wait3A_362 = tpu.memref_slice %arg10[%dma_wait3A_359, %dma_wait3A_360, %dma_wait3A_361] : memref<7x128x128xf32, #tpu.memory_space<vmem>> -> memref<1x128x128xf32, #tpu.memory_space<vmem>>
    %dma_wait3A_363 = tpu.memref_squeeze %dma_wait3A_362 : memref<1x128x128xf32, #tpu.memory_space<vmem>> -> memref<128x128xf32, #tpu.memory_space<vmem>>
    %dma_wait3A_364 = arith.constant 0 : i32
    %dma_wait3A_365 = tpu.memref_slice %arg7[%add3A_255, %dma_wait3A_364] : memref<16384x128xf32, #tpu.memory_space<hbm>> -> memref<128x128xf32, #tpu.memory_space<hbm>>
    %dma_wait3A_366 = arith.constant 0 : i32
    %dma_wait3A_367 = tpu.memref_slice %arg7[%add3A_255, %dma_wait3A_366] : memref<16384x128xf32, #tpu.memory_space<hbm>> -> memref<128x128xf32, #tpu.memory_space<hbm>>
    %dma_wait3A_368 = arith.constant 0 : i32
    %dma_wait3A_369 = arith.constant 0 : i32
    %dma_wait3A_370 = tpu.memref_slice %arg10[%dma_wait3A_359, %dma_wait3A_368, %dma_wait3A_369] : memref<7x128x128xf32, #tpu.memory_space<vmem>> -> memref<1x128x128xf32, #tpu.memory_space<vmem>>
    %dma_wait3A_371 = tpu.memref_squeeze %dma_wait3A_370 : memref<1x128x128xf32, #tpu.memory_space<vmem>> -> memref<128x128xf32, #tpu.memory_space<vmem>>
    tpu.wait_dma2 semaphore(%arg12 : memref<!tpu.dma_semaphore, #tpu.memory_space<semaphore_mem>>) src(%dma_wait3A_371 : memref<128x128xf32, #tpu.memory_space<vmem>>) dst(%dma_wait3A_367 : memref<128x128xf32, #tpu.memory_space<hbm>>)
    %dma_wait3A_372 = arith.constant 0 : i32
    %dma_wait3A_373 = arith.constant 0 : i32
    %dma_wait3A_374 = arith.constant 0 : i32
    %dma_wait3A_375 = tpu.memref_slice %arg10[%dma_wait3A_372, %dma_wait3A_373, %dma_wait3A_374] : memref<7x128x128xf32, #tpu.memory_space<vmem>> -> memref<1x128x128xf32, #tpu.memory_space<vmem>>
    %dma_wait3A_376 = tpu.memref_squeeze %dma_wait3A_375 : memref<1x128x128xf32, #tpu.memory_space<vmem>> -> memref<128x128xf32, #tpu.memory_space<vmem>>
    %dma_wait3A_377 = arith.constant 0 : i32
    %dma_wait3A_378 = tpu.memref_slice %arg7[%add3A_280, %dma_wait3A_377] : memref<16384x128xf32, #tpu.memory_space<hbm>> -> memref<128x128xf32, #tpu.memory_space<hbm>>
    %dma_wait3A_379 = arith.constant 0 : i32
    %dma_wait3A_380 = tpu.memref_slice %arg7[%add3A_280, %dma_wait3A_379] : memref<16384x128xf32, #tpu.memory_space<hbm>> -> memref<128x128xf32, #tpu.memory_space<hbm>>
    %dma_wait3A_381 = arith.constant 0 : i32
    %dma_wait3A_382 = arith.constant 0 : i32
    %dma_wait3A_383 = tpu.memref_slice %arg10[%dma_wait3A_372, %dma_wait3A_381, %dma_wait3A_382] : memref<7x128x128xf32, #tpu.memory_space<vmem>> -> memref<1x128x128xf32, #tpu.memory_space<vmem>>
    %dma_wait3A_384 = tpu.memref_squeeze %dma_wait3A_383 : memref<1x128x128xf32, #tpu.memory_space<vmem>> -> memref<128x128xf32, #tpu.memory_space<vmem>>
    tpu.wait_dma2 semaphore(%arg12 : memref<!tpu.dma_semaphore, #tpu.memory_space<semaphore_mem>>) src(%dma_wait3A_384 : memref<128x128xf32, #tpu.memory_space<vmem>>) dst(%dma_wait3A_380 : memref<128x128xf32, #tpu.memory_space<hbm>>)
    return
  }
}

</mosaic_0001>

<sc_bundles>
// kernel: kernel.3.cloned.1.call-start
scs
__scs_entry_jumppad:
0x0: {  	(pc) =	sbr.rel $0x88, $3  }
0x1: {  	(tag) =	ssettag $0x0;
	lr =	simm.s32 $0x1  }
0x2: {  	[smem:$0x3F9D] =	sst lr;
	_ =	strace $0xD0000000  }
0x3: {  	_ = 	snop  }
0x4: {  	_ = 	snop  }
0x5: {  	_ = 	snop  }
0x6: {  	_ = 	snop  }
0x7: {  	_ = 	snop  }
__scs_overlays_trampoline_lowered:
0x8: {  	[smem:$0x3FAC] =	sst s0  }
0x9: {  	[smem:$0x3FAD] =	sst s1  }
0xa: {  	[smem:$0x3FAE] =	sst s2  }
0xb: {  	[smem:$0x3FAF] =	sst s3  }
0xc: {  	[smem:$0x3FB0] =	sst s4  }
0xd: {  	[smem:$0x3FB1] =	sst s5  }
0xe: {  	[smem:$0x3FB2] =	sst s6  }
0xf: {  	[smem:$0x3FB3] =	sst s7  }
0x10: {  	[smem:$0x3FB4] =	sst s8  }
0x11: {  	[smem:$0x3FB5] =	sst s9;
	s0 =	simm.s32 @!p0 $0x0  }
0x12: {  	s1 =	sld [smem:$0x3F9B];
	s0 =	simm.s32 @p0 $0x1  }
0x13: {  	[smem:$0x3FB6] =	sst s0;
	s0 =	simm.s32 @!p1 $0x0  }
0x14: {  	s2 =	sld [smem:$0x3F9A];
	s0 =	simm.s32 @p1 $0x1  }
0x15: {  	[smem:$0x3FB7] =	sst s0;
	s0 =	simm.s32 @!p2 $0x0  }
0x16: {  	s3 =	sld [smem:$0x3FDB];
	s0 =	simm.s32 @p2 $0x1  }
0x17: {  	s4 =	simm.s32 $0x1BF5;
	[smem:$0x3FB9] =	sst s0  }
0x18: {  	s0 =	sld [smem:$0x3F9C];
	_ =	swait.ge [sflag:s4], $0x0  }
0x19: {  	s7 =	sld [smem:$0x3F9D]  }
0x1a: {  	s8 =	sadd.s32 $0xFFFFE003, lr  }
0x1b: {  	s9 =	sadd.s32 $0xFFFFFEF7, lr;
	s5 =	simm.s32 $0xFFFFFFFF;
	p2 =	slt.u32 s8, $0xFFFFF086  }
0x1c: {  	p1 =	slt.u32 s9, $0xF7A;
	s5 =	simm.s32 @!p2 $0x0  }
0x1d: {  	s5 =	simm.s32 @p1 $0x1;
	p0 =	seq.s32 s7, s2  }
0x1e: {  	s7 =	smul.u32 @!p0 $0xF7A, s2;
	p2 =	seq.s32 @!p0 s5, $0x0  }
0x1f: {  	s9 =	smul.u32 $0xF7A, s1;
	s8 =	simm.s32 @!p0 $0x1BF5;
	p2 =	por !p2, p0  }
0x20: {  	[sflag:s8] =	ssyncset.s32 @!p0 $0xFFFFF086;
	s6 =	sadd.s32 @!p0 s3, s7;
	s7 =	simm.s32 @!p0 $0x108  }
0x21: {  	s3 =	sadd.s32 s3, s9;
	s6 =	sadd.s32 @!p0 $0x88, s6;
	s7 =	simm.s32 @p2 $0x1082  }
0x22: {  	[simem:s7], [sflag:s8] =	dma.local @!p0 [hbm:s6], $0xF7A  }
0x23: {  	s9 =	sor.u32 $0xD0000000, s2;
	s6 =	simm.s32 $0x108;
	_ =	swait.ge @!p0 [sflag:s8], $0x0  }
0x24: {  	s3 =	sadd.s32 $0x88, s3;
	s6 =	simm.s32 @!p1 $0x1082;
	[sflag:s4] =	ssyncset.s32 $0xFFFFF086  }
0x25: {  	[simem:s6], [sflag:s4] =	dma.local [hbm:s3], $0xF7A  }
0x26: {  	[smem:$0x3F9D] =	sst s1;
	(tag) =	ssettag s2;
	_ =	strace s9  }
0x27: {  	s1 =	sld [smem:$0x3FAD]  }
0x28: {  	s2 =	sld [smem:$0x3FAE]  }
0x29: {  	s4 =	sld [smem:$0x3FB0]  }
0x2a: {  	p0 =	seq.s32 s5, $0x0;
	s5 =	sld [smem:$0x3FB1]  }
0x2b: {  	s6 =	sld [smem:$0x3FB2]  }
0x2c: {  	s7 =	sld [smem:$0x3FB3]  }
0x2d: {  	s3 =	simm.s32 $0x108;
	s8 =	sld [smem:$0x3FB4]  }
0x2e: {  	s3 =	simm.s32 @!p0 $0x1082;
	s9 =	sld [smem:$0x3FB5]  }
0x2f: {  	lr =	sadd.s32 s0, s3;
	s0 =	sld [smem:$0x3FAC]  }
0x30: {  	s3 =	sld [smem:$0x3FAF]  }
0x31: {  	[smem:$0x3FB8] =	sst s10  }
0x32: {  	s10 =	sld [smem:$0x3FB6];
	_ =	sdelay $0x3  }
0x33: {  	p0 =	seq.s32 s10, $0x1;
	s10 =	sld [smem:$0x3FB8];
	_ =	sdelay $0x3  }
0x34: {  	[smem:$0x3FB8] =	sst s10  }
0x35: {  	s10 =	sld [smem:$0x3FB7];
	_ =	sdelay $0x3  }
0x36: {  	p1 =	seq.s32 s10, $0x1;
	s10 =	sld [smem:$0x3FB8];
	_ =	sdelay $0x3  }
0x37: {  	[smem:$0x3FB8] =	sst s10  }
0x38: {  	s10 =	sld [smem:$0x3FB9]  }
0x39: {  	_ = 	snop;
	(pc) =	sbr.ind lr, $3  }
0x3a: {  	_ = 	snop  }
0x3b: {  	_ = 	snop  }
0x3c: {  	p2 =	seq.s32 s10, $0x1;
	s10 =	sld [smem:$0x3FB8]  }
0x3d: {  	_ =	shalt  }
0x3e: {  	_ =	shalt  }
0x3f: {  	_ =	shalt  }
0x40: {  	_ =	shalt  }
0x41: {  	_ =	shalt  }
0x42: {  	_ =	shalt  }
0x43: {  	_ =	shalt  }
0x44: {  	_ =	shalt  }
0x45: {  	_ =	shalt  }
0x46: {  	_ =	shalt  }
0x47: {  	_ =	shalt  }
0x48: {  	_ =	shalt  }
0x49: {  	_ =	shalt  }
0x4a: {  	_ =	shalt  }
0x4b: {  	_ =	shalt  }
0x4c: {  	_ =	shalt  }
0x4d: {  	_ =	shalt  }
0x4e: {  	_ =	shalt  }
0x4f: {  	_ =	shalt  }
0x50: {  	_ =	shalt  }
0x51: {  	_ =	shalt  }
0x52: {  	_ =	shalt  }
0x53: {  	_ =	shalt  }
0x54: {  	_ =	shalt  }
0x55: {  	_ =	shalt  }
0x56: {  	_ =	shalt  }
0x57: {  	_ =	shalt  }
0x58: {  	_ =	shalt  }
0x59: {  	_ =	shalt  }
0x5a: {  	_ =	shalt  }
0x5b: {  	_ =	shalt  }
0x5c: {  	_ =	shalt  }
0x5d: {  	_ =	shalt  }
0x5e: {  	_ =	shalt  }
0x5f: {  	_ =	shalt  }
0x60: {  	_ =	shalt  }
0x61: {  	_ =	shalt  }
0x62: {  	_ =	shalt  }
0x63: {  	_ =	shalt  }
0x64: {  	_ =	shalt  }
0x65: {  	_ =	shalt  }
0x66: {  	_ =	shalt  }
0x67: {  	_ =	shalt  }
0x68: {  	_ =	shalt  }
0x69: {  	_ =	shalt  }
0x6a: {  	_ =	shalt  }
0x6b: {  	_ =	shalt  }
0x6c: {  	_ =	shalt  }
0x6d: {  	_ =	shalt  }
0x6e: {  	_ =	shalt  }
0x6f: {  	_ =	shalt  }
0x70: {  	_ =	shalt  }
0x71: {  	_ =	shalt  }
0x72: {  	_ =	shalt  }
0x73: {  	_ =	shalt  }
0x74: {  	_ =	shalt  }
0x75: {  	_ =	shalt  }
0x76: {  	_ =	shalt  }
0x77: {  	_ =	shalt  }
0x78: {  	_ =	shalt  }
0x79: {  	_ =	shalt  }
0x7a: {  	_ =	shalt  }
0x7b: {  	_ =	shalt  }
0x7c: {  	_ =	shalt  }
0x7d: {  	_ =	shalt  }
0x7e: {  	_ =	shalt  }
0x7f: {  	_ =	shalt  }
0x80: {  	_ =	shalt  }
0x81: {  	_ =	shalt  }
0x82: {  	_ =	shalt  }
0x83: {  	_ =	shalt  }
0x84: {  	_ =	shalt  }
0x85: {  	_ =	shalt  }
0x86: {  	_ =	shalt  }
0x87: {  	_ =	shalt  }
.Lfunc_end0:
.L_simem_size_0:
called_computation_lowered:
.L_overlay_start_0:
0x88: {  	s2 =	sld [smem:$0x3FD9]  }
0x89: {  	s3 =	sld [smem:$0x3FFE];
	_ =	sdelay $0x1  }
0x8a: {  	s1 =	srdreg.scid  }
0x8b: {  	s0 =	sand.u32 $0x1, s1  }
0x8c: {  	s15 =	sshll.u32 s0, $0xA;
	s2 =	sadd.s32 s3, s2  }
0x8d: {  	s2 =	sadd.s32 s2, s15  }
0x8e: {  	[smem:$0x3FC4] =	sst s2  }
0x8f: {  	_ = 	snop  }
0x90: {  	s2 =	sld [smem:$0x3FC9]  }
0x91: {  	s16 =	sld [smem:$0x3FD0]  }
0x92: {  	s4 =	sld [smem:$0x3FC8]  }
0x93: {  	s5 =	sld [smem:$0x3FC7]  }
0x94: {  	s7 =	simm.s32 $0xA;
	s8 =	simm.s32 $0x10;
	s6 =	sld [smem:$0x3FC6]  }
0x95: {  	[smem:s8], [sflag:s7] =	dma.local [hbm:s16], $0x1  }
0x96: {  	_ =	swait.eq [sflag:s7], $0x1  }
0x97: {  	[sflag:s7] =	ssyncset.done $0x0  }
0x98: {  	s17 =	sld [smem:$0x10];
	[sflag:s7] =	ssyncadd.s32 $0xFFFFFFFF  }
0x99: {  	s18 =	sld [smem:$0x11];
	(tm) =	ssettm $0x1  }
0x9a: {  	s19 =	sld [smem:$0x3FFB];
	_ =	sdelay $0x3  }
0x9b: {  	_ =	strace s19  }
0x9c: {  	s8 =	sld [smem:$0x3FFC];
	_ =	sdelay $0x3  }
0x9d: {  	_ =	strace s8  }
0x9e: {  	s8 =	sld [smem:$0x3FFD];
	_ =	sdelay $0x3  }
0x9f: {  	_ =	strace s8  }
0xa0: {  	_ =	strace $0x8FFFFFFF  }
0xa1: {  	s20 =	sld [smem:$0x3FDB];
	_ =	sdelay $0x1  }
0xa2: {  	s9 =	simm.s32 $_scs_section_size  }
0xa3: {  	s10 =	simm.s32 $_size__tile_overlayer_lowered;
	s11 =	simm.s32 $_tile_overlayer_lowered  }
0xa4: {  	s23 =	simm.s32 $0x1BFF;
	s22 =	sshll.u32 s11, $0x1;
	s8 =	sadd.s32 s9, s20  }
0xa5: {  	s12 =	simm.s32 $0x0;
	s21 =	sshll.u32 s10, $0x1;
	s10 =	sadd.s32 s22, s8  }
0xa6: {  	[timem:s12], [sflag:s23] =	dma.local [hbm:s10], s21  }
0xa7: {  	_ =	swait.ge [sflag:s23], s21  }
0xa8: {  	s9 =	ssub.s32 $0x0, s21;
	[sflag:s23] =	ssyncset.done $0x0  }
0xa9: {  	[sflag:s23] =	ssyncadd.s32 s9;
	_ =	sdelay $0x1  }
0xaa: {  	s24 =	simm.s32 $0x1B8B  }
0xab: {  	_ =	swait.ge [sflag:s24], $0x1  }
0xac: {  	[sflag:s24] =	ssyncset.done $0x0  }
0xad: {  	s25 =	simm.s32 $0x1B8E;
	[sflag:s24] =	ssyncadd.s32 $0xFFFFFFFF  }
0xae: {  	s26 =	simm.s32 $execute0_lowered;
	[smem:$0x3FD2] =	sst s25  }
0xaf: {  	s9 =	sshll.u32 s26, $0x1;
	_ =	strace $0x80000046;
	[dreg:$0x1] =	wrdreg $0xFFFFFFFF  }
0xb0: {  	s28 =	simm.s32 $_size_execute0_lowered;
	s8 =	sadd.s32 s8, s9;
	[dreg:$0x0] =	wrdreg $0x0  }
0xb1: {  	s9 =	sshll.u32 s28, $0x1;
	[dreg:$0x2] =	wrdreg s8  }
0xb2: {  	[dreg:$0x3] =	wrdreg s9  }
0xb3: {  	[dreg:$0x4] =	wrdreg $0xC0  }
0xb4: {  	_ =	task [dreg:s12], $0x5FFFF  }
0xb5: {  	[dreg:$0x1] =	wrdreg $0xFFFFFFFF  }
0xb6: {  	[dreg:$0x0] =	wrdreg $0x60  }
0xb7: {  	[dreg:$0x2] =	wrdreg s2  }
0xb8: {  	[dreg:$0x3] =	wrdreg s4  }
0xb9: {  	[dreg:$0x4] =	wrdreg s5  }
0xba: {  	[dreg:$0x5] =	wrdreg s6  }
0xbb: {  	[dreg:$0x6] =	wrdreg s17  }
0xbc: {  	[dreg:$0x7] =	wrdreg s18  }
0xbd: {  	[dreg:$0x8] =	wrdreg $0x9  }
0xbe: {  	_ =	task.clear_ibuf [dreg:s12], $0x9FFFF;
	_ =	strace $0x90000046  }
0xbf: {  	s29 =	simm.s32 $0x9;
	_ =	strace $0x80000048  }
0xc0: {  	_ =	swait.ge [sflag:s29], $0x1  }
0xc1: {  	[sflag:s29] =	ssyncadd.s32 $0xFFFFFFFF  }
0xc2: {  	_ =	strace $0x90000048  }
0xc3: {  	_ =	sfence  }
0xc4: {  	s30 =	sld [smem:$0x0];
	_ =	sdelay $0x2  }
0xc5: {  	s31 =	sshll.u32 s1, $0xD;
	s1 =	sshrl.u32 s1, $0x2  }
0xc6: {  	s3 =	sand.u32 $0x4000, s31;
	s1 =	sadd.s32 s1, s30  }
0xc7: {  	s0 =	sor.u32 s3, s0;
	s1 =	sshll.u32 s1, $0x11  }
0xc8: {  	s0 =	sor.u32 s1, s0  }
0xc9: {  	s0 =	sadd.s32 $0x8F2B, s0  }
0xca: {  	[sflag:s0] =	ssyncadd.remote.s32 $0x1  }
0xcb: {  	_ =	sfence.sel $0xFFFF  }
0xcc: {  	[dreg:$0x0] =	wrdreg $0xFFFFFFFF;
	(pc) =	sbr.abs _section_cstart, $3  }
0xcd: {  	[dreg:$0x1] =	wrdreg $0xFFFFFFFF  }
0xce: {  	_ =	task.clear_ibuf [dreg:s12], $0x2FFFF;
	_ =	strace $0x9FFFFFFF  }
0xcf: {  	(tm) =	ssettm $0x7FFFFFFF  }
tec
execute0_lowered:
.L_overlay_start_1:
0x0: {  	(tag) =	ssettag $0x1  }
0x1: {  	s5 =	rddreg [dreg:$0x0]  }
0x2: {  	s13 =	rddreg [dreg:$0x1];
	s2 =	srdreg.scid  }
0x3: {  	s1 =	rddreg [dreg:$0x2];
	s0 =	stileid.u32;
	s2 =	sand.u32 $0x1, s2  }
0x4: {  	s3 =	rddreg [dreg:$0x3];
	s6 =	sshll.u32 s0, $0xA;
	s7 =	sshll.u32 s2, $0x9  }
0x5: {  	s26 =	rddreg [dreg:$0x4];
	s21 =	sor.u32 s7, s6  }
0x6: {  	s31 =	rddreg [dreg:$0x5];
	s4 =	simm.s32 $0x0;
	s14 =	sshrl.u32 s21, $0x3  }
0x7: {  	[smem:$0x7FF] =	sst s4;
	s5 =	sadd.s32 s5, s14  }
0x8: {  	_ =	strace $0x80000047;
	[dreg:$0x7] =	wrdreg s5  }
0x9: {  	s5 =	simm.s32 $0x3;
	s25 =	rddreg [dreg:$0x7]  }
0xa: {  	[tilespmem:s4], [sflag:$0x3] =	stream.linear.gather [hbm4b:s25+s4], $0x200, $0x38;
	[tilespmem:$0x1C400] =	vst v63  }
0xb: {  	_ =	swait.ge [sflag:s5], $0x200  }
0xc: {  	[sflag:s5] =	ssyncset.done $0x0  }
0xd: {  	s6 =	simm.s32 $0x80;
	s7 =	simm.s32 $0x400;
	[sflag:s5] =	ssyncadd.s32 $0xFFFFFE00  }
0xe: {  	[tilespmem:s7], [sflag:$0x1] =	stream.indirect.gather [hbm4b:s1+s6], $0x80, s4, s6, $0xb8;
	[tilespmem:$0x1C400] =	vst v63  }
0xf: {  	s8 =	simm.s32 $0x4400  }
0x10: {  	[tilespmem:s8], [sflag:$0x1] =	stream.indirect.gather [hbm4b:s1+s6], $0x80, s6, s6, $0xb8;
	[tilespmem:$0x1C400] =	vst v63  }
0x11: {  	s9 =	simm.s32 $0x100;
	s10 =	simm.s32 $0x8400  }
0x12: {  	[tilespmem:s10], [sflag:$0x1] =	stream.indirect.gather [hbm4b:s1+s6], $0x80, s9, s6, $0xb8;
	[tilespmem:$0x1C400] =	vst v63  }
0x13: {  	s11 =	simm.s32 $0x180;
	s12 =	simm.s32 $0xC400  }
0x14: {  	[tilespmem:s12], [sflag:$0x1] =	stream.indirect.gather [hbm4b:s1+s6], $0x80, s11, s6, $0xb8;
	[tilespmem:$0x1C400] =	vst v63  }
0x15: {  	s13 =	sadd.s32 s13, s14;
	s14 =	simm.s32 $0x200  }
0x16: {  	[tilespmem:s14], [sflag:$0x3] =	stream.linear.gather [hbm4b:s13+s4], $0x200, $0x38;
	[tilespmem:$0x1C400] =	vst v63  }
0x17: {  	_ =	swait.ge [sflag:s5], $0x200  }
0x18: {  	[sflag:s5] =	ssyncset.done $0x0  }
0x19: {  	s15 =	simm.s32 $0x10400;
	[sflag:s5] =	ssyncadd.s32 $0xFFFFFE00  }
0x1a: {  	[tilespmem:s15], [sflag:$0x1] =	stream.indirect.gather [hbm4b:s3+s6], $0x80, s14, s6, $0xb8;
	[tilespmem:$0x1C400] =	vst v63  }
0x1b: {  	s16 =	simm.s32 $0x280;
	s17 =	simm.s32 $0x14400  }
0x1c: {  	[tilespmem:s17], [sflag:$0x1] =	stream.indirect.gather [hbm4b:s3+s6], $0x80, s16, s6, $0xb8;
	[tilespmem:$0x1C400] =	vst v63  }
0x1d: {  	s18 =	simm.s32 $0x300;
	s19 =	simm.s32 $0x18400;
	s20 =	simm.s32 $0x1  }
0x1e: {  	[tilespmem:s19], [sflag:$0x1] =	stream.indirect.gather [hbm4b:s3+s6], $0x80, s18, s6, $0xb8;
	[tilespmem:$0x1C400] =	vst v63  }
0x1f: {  	_ =	swait.ge [sflag:s20], $0x4000  }
0x20: {  	s28 =	sshll.u32 s21, $0x4;
	[sflag:s20] =	ssyncset.done $0x0  }
0x21: {  	s22 =	simm.s32 $0x2;
	s21 =	sadd.s32 s26, s28;
	[sflag:s20] =	ssyncadd.s32 $0xFFFFC000  }
0x22: {  	[hbm4b:s21+s4] =	stream.linear.scatter [tilespmem:s7], [sflag:$0x2], $0x4000, $0x38;
	[tilespmem:$0x1C400] =	vst v63  }
0x23: {  	_ =	swait.ge [sflag:s22], $0x4000  }
0x24: {  	[sflag:s22] =	ssyncset.done $0x0  }
0x25: {  	s23 =	simm.s32 $0x380;
	[sflag:s22] =	ssyncadd.s32 $0xFFFFC000  }
0x26: {  	[tilespmem:s7], [sflag:$0x1] =	stream.indirect.gather [hbm4b:s3+s6], $0x80, s23, s6, $0xb8;
	[tilespmem:$0x1C400] =	vst v63  }
0x27: {  	_ =	swait.ge [sflag:s20], $0x4000  }
0x28: {  	s29 =	sor.u32 $0x800, s28;
	[sflag:s20] =	ssyncset.done $0x0  }
0x29: {  	s24 =	sadd.s32 s26, s29;
	[sflag:s20] =	ssyncadd.s32 $0xFFFFC000  }
0x2a: {  	[hbm4b:s24+s4] =	stream.linear.scatter [tilespmem:s8], [sflag:$0x2], $0x4000, $0x38;
	[tilespmem:$0x1C400] =	vst v63  }
0x2b: {  	_ =	swait.ge [sflag:s20], $0x4000  }
0x2c: {  	s30 =	sor.u32 $0x1000, s28;
	[sflag:s20] =	ssyncset.done $0x0  }
0x2d: {  	s25 =	sadd.s32 s26, s30;
	[sflag:s20] =	ssyncadd.s32 $0xFFFFC000  }
0x2e: {  	[hbm4b:s25+s4] =	stream.linear.scatter [tilespmem:s10], [sflag:$0x2], $0x4000, $0x38;
	[tilespmem:$0x1C400] =	vst v63  }
0x2f: {  	_ =	swait.ge [sflag:s20], $0x4000  }
0x30: {  	s0 =	sor.u32 $0x1800, s28;
	[sflag:s20] =	ssyncset.done $0x0  }
0x31: {  	s26 =	sadd.s32 s26, s0;
	[sflag:s20] =	ssyncadd.s32 $0xFFFFC000  }
0x32: {  	[hbm4b:s26+s4] =	stream.linear.scatter [tilespmem:s12], [sflag:$0x2], $0x4000, $0x38;
	[tilespmem:$0x1C400] =	vst v63  }
0x33: {  	_ =	swait.ge [sflag:s20], $0x4000  }
0x34: {  	[sflag:s20] =	ssyncset.done $0x0  }
0x35: {  	s28 =	sadd.s32 s31, s28;
	[sflag:s20] =	ssyncadd.s32 $0xFFFFC000  }
0x36: {  	[hbm4b:s28+s4] =	stream.linear.scatter [tilespmem:s15], [sflag:$0x2], $0x4000, $0x38;
	[tilespmem:$0x1C400] =	vst v63  }
0x37: {  	_ =	swait.ge [sflag:s20], $0x4000  }
0x38: {  	[sflag:s20] =	ssyncset.done $0x0  }
0x39: {  	s29 =	sadd.s32 s31, s29;
	[sflag:s20] =	ssyncadd.s32 $0xFFFFC000  }
0x3a: {  	[hbm4b:s29+s4] =	stream.linear.scatter [tilespmem:s17], [sflag:$0x2], $0x4000, $0x38;
	[tilespmem:$0x1C400] =	vst v63  }
0x3b: {  	_ =	swait.ge [sflag:s20], $0x4000  }
0x3c: {  	[sflag:s20] =	ssyncset.done $0x0  }
0x3d: {  	s30 =	sadd.s32 s31, s30;
	[sflag:s20] =	ssyncadd.s32 $0xFFFFC000  }
0x3e: {  	[hbm4b:s30+s4] =	stream.linear.scatter [tilespmem:s19], [sflag:$0x2], $0x4000, $0x38;
	[tilespmem:$0x1C400] =	vst v63  }
0x3f: {  	_ =	swait.ge [sflag:s20], $0x4000  }
0x40: {  	[sflag:s20] =	ssyncset.done $0x0  }
0x41: {  	s31 =	sadd.s32 s31, s0;
	[sflag:s20] =	ssyncadd.s32 $0xFFFFC000  }
0x42: {  	[hbm4b:s31+s4] =	stream.linear.scatter [tilespmem:s7], [sflag:$0x2], $0x4000, $0x38;
	[tilespmem:$0x1C400] =	vst v63  }
0x43: {  	_ =	swait.ge [sflag:s22], $0x4000  }
0x44: {  	[sflag:s22] =	ssyncset.done $0x0  }
0x45: {  	[sflag:s22] =	ssyncadd.s32 $0xFFFFC000  }
0x46: {  	_ =	swait.ge [sflag:s22], $0x4000  }
0x47: {  	[sflag:s22] =	ssyncset.done $0x0  }
0x48: {  	[sflag:s22] =	ssyncadd.s32 $0xFFFFC000  }
0x49: {  	_ =	swait.ge [sflag:s22], $0x4000  }
0x4a: {  	[sflag:s22] =	ssyncset.done $0x0  }
0x4b: {  	[sflag:s22] =	ssyncadd.s32 $0xFFFFC000  }
0x4c: {  	s0 =	ssub.s32 $0x2, s2;
	_ =	swait.ge [sflag:s22], $0x4000  }
0x4d: {  	s2 =	sshrl.u32 s0, $0x1;
	[sflag:s22] =	ssyncset.done $0x0  }
0x4e: {  	s0 =	ssub.s32 s0, s2;
	[sflag:s22] =	ssyncadd.s32 $0xFFFFC000  }
0x4f: {  	s0 =	smax.u32 s0, $0x1;
	_ =	swait.ge [sflag:s22], $0x4000  }
0x50: {  	p0 =	sne.s32 s0, $0x1;
	[sflag:s22] =	ssyncset.done $0x0  }
.Ltmp0:
0x51: {  	[sflag:s22] =	ssyncadd.s32 $0xFFFFC000;
	(pc) =	sbr.rel @!p0 .LBB2_2-.Ltmp0, $4  }
0x52: {  	_ =	swait.ge [sflag:s22], $0x4000  }
0x53: {  	[sflag:s22] =	ssyncset.done $0x0  }
0x54: {  	[sflag:s22] =	ssyncadd.s32 $0xFFFFC000  }
0x55: {  	s2 =	sadd.s32 $0xFFFFFFFF, s0;
	_ =	swait.ge [sflag:s22], $0x4000  }
.LBB2_1:
0x56: {  	[sflag:s22] =	ssyncset.done $0x0  }
0x57: {  	s0 =	rddreg [dreg:$0x7];
	[sflag:s22] =	ssyncadd.s32 $0xFFFFC000  }
0x58: {  	[tilespmem:s4], [sflag:$0x3] =	stream.linear.gather [hbm4b:s0+s4], $0x200, $0x38;
	[tilespmem:$0x1C400] =	vst v63  }
0x59: {  	_ =	swait.ge [sflag:s5], $0x200  }
0x5a: {  	[sflag:s5] =	ssyncset.done $0x0  }
0x5b: {  	[sflag:s5] =	ssyncadd.s32 $0xFFFFFE00  }
0x5c: {  	[tilespmem:s7], [sflag:$0x1] =	stream.indirect.gather [hbm4b:s1+s6], $0x80, s4, s6, $0xb8;
	[tilespmem:$0x1C400] =	vst v63  }
0x5d: {  	_ = 	snop  }
0x5e: {  	[tilespmem:s8], [sflag:$0x1] =	stream.indirect.gather [hbm4b:s1+s6], $0x80, s6, s6, $0xb8;
	[tilespmem:$0x1C400] =	vst v63  }
0x5f: {  	_ = 	snop  }
0x60: {  	[tilespmem:s10], [sflag:$0x1] =	stream.indirect.gather [hbm4b:s1+s6], $0x80, s9, s6, $0xb8;
	[tilespmem:$0x1C400] =	vst v63  }
0x61: {  	_ = 	snop  }
0x62: {  	[tilespmem:s12], [sflag:$0x1] =	stream.indirect.gather [hbm4b:s1+s6], $0x80, s11, s6, $0xb8;
	[tilespmem:$0x1C400] =	vst v63  }
0x63: {  	_ = 	snop  }
0x64: {  	[tilespmem:s14], [sflag:$0x3] =	stream.linear.gather [hbm4b:s13+s4], $0x200, $0x38;
	[tilespmem:$0x1C400] =	vst v63  }
0x65: {  	_ =	swait.ge [sflag:s5], $0x200  }
0x66: {  	[sflag:s5] =	ssyncset.done $0x0  }
0x67: {  	[sflag:s5] =	ssyncadd.s32 $0xFFFFFE00  }
0x68: {  	[tilespmem:s15], [sflag:$0x1] =	stream.indirect.gather [hbm4b:s3+s6], $0x80, s14, s6, $0xb8;
	[tilespmem:$0x1C400] =	vst v63  }
0x69: {  	_ = 	snop  }
0x6a: {  	[tilespmem:s17], [sflag:$0x1] =	stream.indirect.gather [hbm4b:s3+s6], $0x80, s16, s6, $0xb8;
	[tilespmem:$0x1C400] =	vst v63  }
0x6b: {  	_ = 	snop  }
0x6c: {  	[tilespmem:s19], [sflag:$0x1] =	stream.indirect.gather [hbm4b:s3+s6], $0x80, s18, s6, $0xb8;
	[tilespmem:$0x1C400] =	vst v63  }
0x6d: {  	_ =	swait.ge [sflag:s20], $0x4000  }
0x6e: {  	[sflag:s20] =	ssyncset.done $0x0  }
0x6f: {  	[sflag:s20] =	ssyncadd.s32 $0xFFFFC000  }
0x70: {  	[hbm4b:s21+s4] =	stream.linear.scatter [tilespmem:s7], [sflag:$0x2], $0x4000, $0x38;
	[tilespmem:$0x1C400] =	vst v63  }
0x71: {  	_ =	swait.ge [sflag:s22], $0x4000  }
0x72: {  	[sflag:s22] =	ssyncset.done $0x0  }
0x73: {  	[sflag:s22] =	ssyncadd.s32 $0xFFFFC000  }
0x74: {  	[tilespmem:s7], [sflag:$0x1] =	stream.indirect.gather [hbm4b:s3+s6], $0x80, s23, s6, $0xb8;
	[tilespmem:$0x1C400] =	vst v63  }
0x75: {  	_ =	swait.ge [sflag:s20], $0x4000  }
0x76: {  	[sflag:s20] =	ssyncset.done $0x0  }
0x77: {  	[sflag:s20] =	ssyncadd.s32 $0xFFFFC000  }
0x78: {  	[hbm4b:s24+s4] =	stream.linear.scatter [tilespmem:s8], [sflag:$0x2], $0x4000, $0x38;
	[tilespmem:$0x1C400] =	vst v63  }
0x79: {  	_ =	swait.ge [sflag:s20], $0x4000  }
0x7a: {  	[sflag:s20] =	ssyncset.done $0x0  }
0x7b: {  	[sflag:s20] =	ssyncadd.s32 $0xFFFFC000  }
0x7c: {  	[hbm4b:s25+s4] =	stream.linear.scatter [tilespmem:s10], [sflag:$0x2], $0x4000, $0x38;
	[tilespmem:$0x1C400] =	vst v63  }
0x7d: {  	_ =	swait.ge [sflag:s20], $0x4000  }
0x7e: {  	[sflag:s20] =	ssyncset.done $0x0  }
0x7f: {  	[sflag:s20] =	ssyncadd.s32 $0xFFFFC000  }
0x80: {  	[hbm4b:s26+s4] =	stream.linear.scatter [tilespmem:s12], [sflag:$0x2], $0x4000, $0x38;
	[tilespmem:$0x1C400] =	vst v63  }
0x81: {  	_ =	swait.ge [sflag:s20], $0x4000  }
0x82: {  	[sflag:s20] =	ssyncset.done $0x0  }
0x83: {  	[sflag:s20] =	ssyncadd.s32 $0xFFFFC000  }
0x84: {  	[hbm4b:s28+s4] =	stream.linear.scatter [tilespmem:s15], [sflag:$0x2], $0x4000, $0x38;
	[tilespmem:$0x1C400] =	vst v63  }
0x85: {  	_ =	swait.ge [sflag:s20], $0x4000  }
0x86: {  	[sflag:s20] =	ssyncset.done $0x0  }
0x87: {  	[sflag:s20] =	ssyncadd.s32 $0xFFFFC000  }
0x88: {  	[hbm4b:s29+s4] =	stream.linear.scatter [tilespmem:s17], [sflag:$0x2], $0x4000, $0x38;
	[tilespmem:$0x1C400] =	vst v63  }
0x89: {  	_ =	swait.ge [sflag:s20], $0x4000  }
0x8a: {  	[sflag:s20] =	ssyncset.done $0x0  }
0x8b: {  	[sflag:s20] =	ssyncadd.s32 $0xFFFFC000  }
0x8c: {  	[hbm4b:s30+s4] =	stream.linear.scatter [tilespmem:s19], [sflag:$0x2], $0x4000, $0x38;
	[tilespmem:$0x1C400] =	vst v63  }
0x8d: {  	_ =	swait.ge [sflag:s20], $0x4000  }
0x8e: {  	[sflag:s20] =	ssyncset.done $0x0  }
0x8f: {  	[sflag:s20] =	ssyncadd.s32 $0xFFFFC000  }
0x90: {  	[hbm4b:s31+s4] =	stream.linear.scatter [tilespmem:s7], [sflag:$0x2], $0x4000, $0x38;
	[tilespmem:$0x1C400] =	vst v63  }
0x91: {  	_ =	swait.ge [sflag:s22], $0x4000  }
0x92: {  	[sflag:s22] =	ssyncset.done $0x0  }
0x93: {  	[sflag:s22] =	ssyncadd.s32 $0xFFFFC000  }
0x94: {  	_ =	swait.ge [sflag:s22], $0x4000  }
0x95: {  	[sflag:s22] =	ssyncset.done $0x0  }
0x96: {  	[sflag:s22] =	ssyncadd.s32 $0xFFFFC000  }
0x97: {  	_ =	swait.ge [sflag:s22], $0x4000  }
0x98: {  	[sflag:s22] =	ssyncset.done $0x0  }
0x99: {  	[sflag:s22] =	ssyncadd.s32 $0xFFFFC000  }
0x9a: {  	_ =	swait.ge [sflag:s22], $0x4000  }
0x9b: {  	[sflag:s22] =	ssyncset.done $0x0  }
0x9c: {  	[sflag:s22] =	ssyncadd.s32 $0xFFFFC000  }
0x9d: {  	_ =	swait.ge [sflag:s22], $0x4000  }
0x9e: {  	p0 =	sne.s32 s2, $0x1;
	[sflag:s22] =	ssyncset.done $0x0  }
.Ltmp1:
0x9f: {  	[sflag:s22] =	ssyncadd.s32 $0xFFFFC000;
	(pc) =	sbr.rel @p0 .LBB2_1-.Ltmp1, $4  }
0xa0: {  	_ =	swait.ge [sflag:s22], $0x4000  }
0xa1: {  	[sflag:s22] =	ssyncset.done $0x0  }
0xa2: {  	[sflag:s22] =	ssyncadd.s32 $0xFFFFC000  }
0xa3: {  	s2 =	sadd.s32 $0xFFFFFFFF, s2;
	_ =	swait.ge [sflag:s22], $0x4000  }
.LBB2_2:
0xa4: {  	[sflag:s22] =	ssyncset.done $0x0  }
0xa5: {  	[sflag:s22] =	ssyncadd.s32 $0xFFFFC000  }
0xa6: {  	_ =	sfence.sel $0x180000  }
0xa7: {  	[bflag:$0x0] =	sbarrier.arrive $0xFFFF  }
0xa8: {  	_ =	strace $0x90000047  }
0xa9: {  	s0 =	stileid.u32;
	[bflag:$0x2] =	sbarrier.arrive $0xFFFF  }
0xaa: {  	p0 =	sne.s32 s0, $0x0;
	s0 =	rddreg [dreg:$0x6]  }
0xab: {  	s0 =	sadd.s32 @!p0 $0x100000, s0  }
0xac: {  	[sflag:s0] =	ssyncadd.tile.s32 @!p0 $0x1;
	_ =	shalt  }
.Lfunc_end2:
_tile_overlayer_lowered:
.L_overlay_start_2:
0xad: {  	(tag) =	ssettag $0x2  }
0xae: {  	s0 =	rddreg [dreg:$0x0];
	s2 =	stileid.u32  }
0xaf: {  	s1 =	rddreg [dreg:$0x1];
	p0 =	sne.s32 s2, $0x0  }
0xb0: {  	s3 =	rddreg [dreg:$0x2];
	[bflag:$0x3] =	sbarrier.arrive $0xFFFF;
	s2 =	simm.s32 @!p0 $0x1C03  }
0xb1: {  	[timem:s3], [sflag:s2] =	dma.local @!p0 [hbm:s0], s1  }
0xb2: {  	s0 =	simm.s32 @!p0 $0x3  }
0xb3: {  	_ =	swait.ge @!p0 [sflag:s0], s1  }
0xb4: {  	s1 =	ssub.s32 @!p0 $0x0, s1;
	[sflag:s0] =	ssyncset.done @!p0 $0x0  }
0xb5: {  	[sflag:s0] =	ssyncadd.s32 @!p0 s1  }
0xb6: {  	[bflag:$0x3] =	sbarrier.arrive $0xFFFF  }
0xb7: {  	_ =	shalt  }

</sc_bundles>
